<compile_context>
chip_gen: v7x
topology: tpu7x:2x2x1
jax: 0.10.2.dev20260603
libtpu: 0.0.44.dev20260713+nightly
codegen_flags: <defaults>
</compile_context>

<pallas_src>
import functools

import jax
import jax.numpy as jnp
from jax import lax
from jax.experimental import pallas as pl
from jax.experimental.pallas import tpu as pltpu
from jax.experimental.pallas import tpu_sc as plsc

_B, _S, _D = 4, 8192, 1024
_ROWS_OUT = _B * (_S // 2)
_NW = 32
_ROWS_PER_W = _ROWS_OUT // _NW
_CHUNK_ROWS = 8
_CHUNKS = _ROWS_PER_W // _CHUNK_ROWS
_NBUF = 4
_LANES = 16


def _avg_pool_sc(x2):
    mesh = plsc.VectorSubcoreMesh(core_axis_name="c", subcore_axis_name="s")

    @functools.partial(
        pl.kernel,
        mesh=mesh,
        out_type=jax.ShapeDtypeStruct((_ROWS_OUT, _D), jnp.float32),
        scratch_types=(
            [pltpu.VMEM((2 * _CHUNK_ROWS, _D), jnp.float32)] * _NBUF
            + [pltpu.VMEM((_CHUNK_ROWS, _D), jnp.float32)] * _NBUF
            + [pltpu.SemaphoreType.DMA] * (2 * _NBUF)
        ),
    )
    def k(x_hbm, o_hbm, *bufs):
        in_bufs = bufs[:_NBUF]
        out_bufs = bufs[_NBUF:2 * _NBUF]
        sin = bufs[2 * _NBUF:3 * _NBUF]
        sout = bufs[3 * _NBUF:4 * _NBUF]

        wid = lax.axis_index("s") * 2 + lax.axis_index("c")
        base_in = wid * (_ROWS_PER_W * 2)
        base_out = wid * _ROWS_PER_W

        def in_copy(g, b):
            return pltpu.make_async_copy(
                x_hbm.at[pl.ds(base_in + g * 2 * _CHUNK_ROWS, 2 * _CHUNK_ROWS)],
                in_bufs[b], sin[b])

        def out_copy(g, b):
            return pltpu.make_async_copy(
                out_bufs[b],
                o_hbm.at[pl.ds(base_out + g * _CHUNK_ROWS, _CHUNK_ROWS)],
                sout[b])

        for b in range(_NBUF):
            in_copy(b, b).start()

        def outer(gg, carry):
            for b in range(_NBUF):
                g = gg * _NBUF + b

                in_copy(g, b).wait()

                @pl.when(g >= _NBUF)
                def _drain_prev():
                    out_copy(g - _NBUF, b).wait()

                out_v = out_bufs[b]
                in_v = in_bufs[b]

                @plsc.parallel_loop(0, _CHUNK_ROWS * (_D // _LANES), unroll=8)
                def vec_body(j):
                    row = j >> 6
                    col = (j & (_D // _LANES - 1)) * _LANES
                    a = in_v[2 * row, pl.ds(col, _LANES)]
                    bb = in_v[2 * row + 1, pl.ds(col, _LANES)]
                    out_v[row, pl.ds(col, _LANES)] = (a + bb) * 0.5

                out_copy(g, b).start()

                @pl.when(g + _NBUF < _CHUNKS)
                def _start_next():
                    in_copy(g + _NBUF, b).start()
            return carry

        lax.fori_loop(0, _CHUNKS // _NBUF, outer, 0)
        for b in range(_NBUF):
            out_copy(_CHUNKS - _NBUF + b, b).wait()

    return k(x2)


def kernel(x):
    x2 = x.reshape(_ROWS_OUT * 2, _D)
    of = _avg_pool_sc(x2)
    return of.reshape(_B, _S // 2, _D)

# --- scband reference (transcript-rebuilt; emitter-appended) ---
"""Pipeline reference for scband-avg-pooling-65824668779028 (READ-ONLY COPY).

The authoritative reference and input builder live on the scoring server;
editing this copy changes nothing except your own understanding.
"""

import jax, jax.numpy as jnp
import numpy as np

def setup_inputs(seed: int = 0) -> dict:
    key = jax.random.key(seed)
    x = jax.random.normal(key, (4, 8192, 1024), dtype=jnp.float32)
    return {"x": x}

def reference(x):
    S = x.shape[1]
    seq = jnp.arange(S)
    idx = seq // 2
    idx = jnp.concatenate([idx, idx[-1:]])
    b = (idx[:-1] != idx[1:]).astype(jnp.float32)
    seg = (jnp.cumsum(b) - b).astype(jnp.int32)
    num_seg = (S + 1) // 2
    xt = jnp.swapaxes(x, 0, 1)  # [S, B, d]
    sums = jax.ops.segment_sum(xt, seg, num_segments=num_seg)
    counts = jax.ops.segment_sum(jnp.ones((S,), dtype=x.dtype), seg, num_segments=num_seg)
    counts = jnp.maximum(counts, 1.0)
    out = sums / counts[:, None, None]
    return jnp.swapaxes(out, 0, 1)

if __name__ == "__main__":
    import jax
    _d = setup_inputs()
    print(jax.jit(kernel)(*tuple(_d.values())))

</pallas_src>

<mosaic_0001>
#map = affine_map<(d0, d1) -> (0, 0)>
module attributes {stable_mosaic.version = 14 : i64} {
  func.func @k(%arg0: i32, %arg1: i32, %arg2: memref<32768x1024xf32, #tpu.memory_space<hbm>>, %arg3: memref<16384x1024xf32, #tpu.memory_space<hbm>>, %arg4: memref<16x1024xf32, #tpu.memory_space<vmem>>, %arg5: memref<16x1024xf32, #tpu.memory_space<vmem>>, %arg6: memref<16x1024xf32, #tpu.memory_space<vmem>>, %arg7: memref<16x1024xf32, #tpu.memory_space<vmem>>, %arg8: memref<8x1024xf32, #tpu.memory_space<vmem>>, %arg9: memref<8x1024xf32, #tpu.memory_space<vmem>>, %arg10: memref<8x1024xf32, #tpu.memory_space<vmem>>, %arg11: memref<8x1024xf32, #tpu.memory_space<vmem>>, %arg12: memref<!tpu.dma_semaphore, #tpu.memory_space<semaphore_mem>>, %arg13: memref<!tpu.dma_semaphore, #tpu.memory_space<semaphore_mem>>, %arg14: memref<!tpu.dma_semaphore, #tpu.memory_space<semaphore_mem>>, %arg15: memref<!tpu.dma_semaphore, #tpu.memory_space<semaphore_mem>>, %arg16: memref<!tpu.dma_semaphore, #tpu.memory_space<semaphore_mem>>, %arg17: memref<!tpu.dma_semaphore, #tpu.memory_space<semaphore_mem>>, %arg18: memref<!tpu.dma_semaphore, #tpu.memory_space<semaphore_mem>>, %arg19: memref<!tpu.dma_semaphore, #tpu.memory_space<semaphore_mem>>) attributes {dimension_semantics = [#tpu.dimension_semantics<core_parallel>, #tpu.dimension_semantics<subcore_parallel>], iteration_bounds = array<i64: 2, 16>, scalar_prefetch = 0 : i64, scratch_operands = 16 : i64, tpu.core_type = #tpu.core_type<sc_vector_subcore>, window_params = [{transform_indices = #map}, {transform_indices = #map}]} {
    %mul3A = arith.constant 2 : i32
    %mul3A_0 = arith.muli %arg1, %mul3A : i32
    %add3A = arith.addi %mul3A_0, %arg0 : i32
    %mul3A_1 = arith.constant 1024 : i32
    %mul3A_2 = arith.muli %add3A, %mul3A_1 : i32
    %mul3A_3 = arith.constant 512 : i32
    %mul3A_4 = arith.muli %add3A, %mul3A_3 : i32
    %add3A_5 = arith.constant 0 : i32
    %add3A_6 = arith.addi %mul3A_2, %add3A_5 : i32
    %dma_start3A = arith.constant 0 : i32
    %dma_start3A_7 = tpu.memref_slice %arg2[%add3A_6, %dma_start3A] : memref<32768x1024xf32, #tpu.memory_space<hbm>> -> memref<16x1024xf32, #tpu.memory_space<hbm>>
    %dma_start3A_8 = arith.constant 0 : i32
    %dma_start3A_9 = tpu.memref_slice %arg2[%add3A_6, %dma_start3A_8] : memref<32768x1024xf32, #tpu.memory_space<hbm>> -> memref<16x1024xf32, #tpu.memory_space<hbm>>
    tpu.enqueue_dma source(%dma_start3A_9 : memref<16x1024xf32, #tpu.memory_space<hbm>>) target(%arg4 : memref<16x1024xf32, #tpu.memory_space<vmem>>) target_semaphore(%arg12 : memref<!tpu.dma_semaphore, #tpu.memory_space<semaphore_mem>>)
    %add3A_10 = arith.constant 16 : i32
    %add3A_11 = arith.addi %mul3A_2, %add3A_10 : i32
    %dma_start3A_12 = arith.constant 0 : i32
    %dma_start3A_13 = tpu.memref_slice %arg2[%add3A_11, %dma_start3A_12] : memref<32768x1024xf32, #tpu.memory_space<hbm>> -> memref<16x1024xf32, #tpu.memory_space<hbm>>
    %dma_start3A_14 = arith.constant 0 : i32
    %dma_start3A_15 = tpu.memref_slice %arg2[%add3A_11, %dma_start3A_14] : memref<32768x1024xf32, #tpu.memory_space<hbm>> -> memref<16x1024xf32, #tpu.memory_space<hbm>>
    tpu.enqueue_dma source(%dma_start3A_15 : memref<16x1024xf32, #tpu.memory_space<hbm>>) target(%arg5 : memref<16x1024xf32, #tpu.memory_space<vmem>>) target_semaphore(%arg13 : memref<!tpu.dma_semaphore, #tpu.memory_space<semaphore_mem>>)
    %add3A_16 = arith.constant 32 : i32
    %add3A_17 = arith.addi %mul3A_2, %add3A_16 : i32
    %dma_start3A_18 = arith.constant 0 : i32
    %dma_start3A_19 = tpu.memref_slice %arg2[%add3A_17, %dma_start3A_18] : memref<32768x1024xf32, #tpu.memory_space<hbm>> -> memref<16x1024xf32, #tpu.memory_space<hbm>>
    %dma_start3A_20 = arith.constant 0 : i32
    %dma_start3A_21 = tpu.memref_slice %arg2[%add3A_17, %dma_start3A_20] : memref<32768x1024xf32, #tpu.memory_space<hbm>> -> memref<16x1024xf32, #tpu.memory_space<hbm>>
    tpu.enqueue_dma source(%dma_start3A_21 : memref<16x1024xf32, #tpu.memory_space<hbm>>) target(%arg6 : memref<16x1024xf32, #tpu.memory_space<vmem>>) target_semaphore(%arg14 : memref<!tpu.dma_semaphore, #tpu.memory_space<semaphore_mem>>)
    %add3A_22 = arith.constant 48 : i32
    %add3A_23 = arith.addi %mul3A_2, %add3A_22 : i32
    %dma_start3A_24 = arith.constant 0 : i32
    %dma_start3A_25 = tpu.memref_slice %arg2[%add3A_23, %dma_start3A_24] : memref<32768x1024xf32, #tpu.memory_space<hbm>> -> memref<16x1024xf32, #tpu.memory_space<hbm>>
    %dma_start3A_26 = arith.constant 0 : i32
    %dma_start3A_27 = tpu.memref_slice %arg2[%add3A_23, %dma_start3A_26] : memref<32768x1024xf32, #tpu.memory_space<hbm>> -> memref<16x1024xf32, #tpu.memory_space<hbm>>
    tpu.enqueue_dma source(%dma_start3A_27 : memref<16x1024xf32, #tpu.memory_space<hbm>>) target(%arg7 : memref<16x1024xf32, #tpu.memory_space<vmem>>) target_semaphore(%arg15 : memref<!tpu.dma_semaphore, #tpu.memory_space<semaphore_mem>>)
    %scan3A = arith.constant 0 : i32
    %scan3A_28 = arith.constant 0 : i32
    %scan3A_29 = arith.constant 16 : i32
    %scan3A_30 = arith.addi %scan3A_28, %scan3A_29 : i32
    %scan3A_31 = arith.constant 1 : i32
    scf.for %scan3A_56 = %scan3A_28 to %scan3A_30 step %scan3A_31  : i32 {
      %mul3A_57 = arith.constant 4 : i32
      %mul3A_58 = arith.muli %scan3A_56, %mul3A_57 : i32
      %add3A_59 = arith.constant 0 : i32
      %add3A_60 = arith.addi %mul3A_58, %add3A_59 : i32
      %mul3A_61 = arith.constant 2 : i32
      %mul3A_62 = arith.muli %add3A_60, %mul3A_61 : i32
      %mul3A_63 = arith.constant 8 : i32
      %mul3A_64 = arith.muli %mul3A_62, %mul3A_63 : i32
      %add3A_65 = arith.addi %mul3A_2, %mul3A_64 : i32
      %dma_wait3A_66 = arith.constant 0 : i32
      %dma_wait3A_67 = tpu.memref_slice %arg2[%add3A_65, %dma_wait3A_66] : memref<32768x1024xf32, #tpu.memory_space<hbm>> -> memref<16x1024xf32, #tpu.memory_space<hbm>>
      %dma_wait3A_68 = arith.constant 0 : i32
      %dma_wait3A_69 = tpu.memref_slice %arg2[%add3A_65, %dma_wait3A_68] : memref<32768x1024xf32, #tpu.memory_space<hbm>> -> memref<16x1024xf32, #tpu.memory_space<hbm>>
      tpu.wait_dma2 semaphore(%arg12 : memref<!tpu.dma_semaphore, #tpu.memory_space<semaphore_mem>>) src(%dma_wait3A_69 : memref<16x1024xf32, #tpu.memory_space<hbm>>) dst(%arg4 : memref<16x1024xf32, #tpu.memory_space<vmem>>)
      %ge3A = arith.constant 4 : i32
      %ge3A_70 = arith.cmpi sge, %add3A_60, %ge3A : i32
      %convert_element_type3A = arith.extui %ge3A_70 : i1 to i32
      %cond3A = arith.constant 0 : i32
      %cond3A_71 = arith.cmpi ne, %convert_element_type3A, %cond3A : i32
      scf.if %cond3A_71 {
        %sub3A = arith.constant 4 : i32
        %sub3A_192 = arith.subi %add3A_60, %sub3A : i32
        %mul3A_193 = arith.constant 8 : i32
        %mul3A_194 = arith.muli %sub3A_192, %mul3A_193 : i32
        %add3A_195 = arith.addi %mul3A_4, %mul3A_194 : i32
        %dma_wait3A_196 = arith.constant 0 : i32
        %dma_wait3A_197 = tpu.memref_slice %arg3[%add3A_195, %dma_wait3A_196] : memref<16384x1024xf32, #tpu.memory_space<hbm>> -> memref<8x1024xf32, #tpu.memory_space<hbm>>
        %dma_wait3A_198 = arith.constant 0 : i32
        %dma_wait3A_199 = tpu.memref_slice %arg3[%add3A_195, %dma_wait3A_198] : memref<16384x1024xf32, #tpu.memory_space<hbm>> -> memref<8x1024xf32, #tpu.memory_space<hbm>>
        tpu.wait_dma2 semaphore(%arg16 : memref<!tpu.dma_semaphore, #tpu.memory_space<semaphore_mem>>) src(%arg8 : memref<8x1024xf32, #tpu.memory_space<vmem>>) dst(%dma_wait3A_199 : memref<8x1024xf32, #tpu.memory_space<hbm>>)
      } else {
      }
      %parallel_loop3A = arith.constant 0 : i32
      %parallel_loop3A_72 = arith.constant 512 : i32
      %parallel_loop3A_73 = arith.constant 1 : i32
      scf.for %parallel_loop3A_192 = %parallel_loop3A to %parallel_loop3A_72 step %parallel_loop3A_73  : i32 {
        %parallel_loop3A_193 = arith.constant 6 : i32
        %parallel_loop3A_194 = arith.shrsi %parallel_loop3A_192, %parallel_loop3A_193 : i32
        %parallel_loop3A_195 = arith.constant 63 : i32
        %parallel_loop3A_196 = arith.andi %parallel_loop3A_192, %parallel_loop3A_195 : i32
        %parallel_loop3A_197 = arith.constant 16 : i32
        %parallel_loop3A_198 = arith.muli %parallel_loop3A_196, %parallel_loop3A_197 : i32
        %parallel_loop3A_199 = arith.constant 2 : i32
        %parallel_loop3A_200 = arith.muli %parallel_loop3A_199, %parallel_loop3A_194 : i32
        %parallel_loop3A_201 = arith.index_cast %parallel_loop3A_200 : i32 to index
        %parallel_loop3A_202 = arith.index_cast %parallel_loop3A_198 : i32 to index
        %parallel_loop3A_203 = tpu.vector_load %arg4[%parallel_loop3A_201, %parallel_loop3A_202] {strides = array<i32>} : memref<16x1024xf32, #tpu.memory_space<vmem>>, vector<1x16xf32>,
        %parallel_loop3A_204 = vector.shape_cast %parallel_loop3A_203 : vector<1x16xf32> to vector<16xf32>
        %parallel_loop3A_205 = arith.constant 2 : i32
        %parallel_loop3A_206 = arith.muli %parallel_loop3A_205, %parallel_loop3A_194 : i32
        %parallel_loop3A_207 = arith.constant 1 : i32
        %parallel_loop3A_208 = arith.addi %parallel_loop3A_206, %parallel_loop3A_207 : i32
        %parallel_loop3A_209 = arith.index_cast %parallel_loop3A_208 : i32 to index
        %parallel_loop3A_210 = arith.index_cast %parallel_loop3A_198 : i32 to index
        %parallel_loop3A_211 = tpu.vector_load %arg4[%parallel_loop3A_209, %parallel_loop3A_210] {strides = array<i32>} : memref<16x1024xf32, #tpu.memory_space<vmem>>, vector<1x16xf32>,
        %parallel_loop3A_212 = vector.shape_cast %parallel_loop3A_211 : vector<1x16xf32> to vector<16xf32>
        %parallel_loop3A_213 = arith.addf %parallel_loop3A_204, %parallel_loop3A_212 : vector<16xf32>
        %parallel_loop3A_214 = arith.constant 5.000000e-01 : f32
        %parallel_loop3A_215 = vector.broadcast %parallel_loop3A_214 : f32 to vector<16xf32>
        %parallel_loop3A_216 = arith.mulf %parallel_loop3A_213, %parallel_loop3A_215 : vector<16xf32>
        %parallel_loop3A_217 = arith.index_cast %parallel_loop3A_194 : i32 to index
        %parallel_loop3A_218 = arith.index_cast %parallel_loop3A_198 : i32 to index
        %parallel_loop3A_219 = tpu.vector_load %arg8[%parallel_loop3A_217, %parallel_loop3A_218] {strides = array<i32>} : memref<8x1024xf32, #tpu.memory_space<vmem>>, vector<1x16xf32>,
        %parallel_loop3A_220 = vector.shape_cast %parallel_loop3A_219 : vector<1x16xf32> to vector<16xf32>
        %parallel_loop3A_221 = vector.shape_cast %parallel_loop3A_216 : vector<16xf32> to vector<1x16xf32>
        tpu.vector_store %arg8[%parallel_loop3A_217, %parallel_loop3A_218], %parallel_loop3A_221 {strides = array<i32>} : memref<8x1024xf32, #tpu.memory_space<vmem>>, vector<1x16xf32>,
      } {sc.loop_unroll_factor = 8 : i64, sc.parallel_access}
      %mul3A_74 = arith.constant 8 : i32
      %mul3A_75 = arith.muli %add3A_60, %mul3A_74 : i32
      %add3A_76 = arith.addi %mul3A_4, %mul3A_75 : i32
      %dma_start3A_77 = arith.constant 0 : i32
      %dma_start3A_78 = tpu.memref_slice %arg3[%add3A_76, %dma_start3A_77] : memref<16384x1024xf32, #tpu.memory_space<hbm>> -> memref<8x1024xf32, #tpu.memory_space<hbm>>
      %dma_start3A_79 = arith.constant 0 : i32
      %dma_start3A_80 = tpu.memref_slice %arg3[%add3A_76, %dma_start3A_79] : memref<16384x1024xf32, #tpu.memory_space<hbm>> -> memref<8x1024xf32, #tpu.memory_space<hbm>>
      tpu.enqueue_dma source(%arg8 : memref<8x1024xf32, #tpu.memory_space<vmem>>) target(%dma_start3A_80 : memref<8x1024xf32, #tpu.memory_space<hbm>>) target_semaphore(%arg16 : memref<!tpu.dma_semaphore, #tpu.memory_space<semaphore_mem>>)
      %add3A_81 = arith.constant 4 : i32
      %add3A_82 = arith.addi %add3A_60, %add3A_81 : i32
      %lt3A = arith.constant 64 : i32
      %lt3A_83 = arith.cmpi slt, %add3A_82, %lt3A : i32
      %convert_element_type3A_84 = arith.extui %lt3A_83 : i1 to i32
      %cond3A_85 = arith.constant 0 : i32
      %cond3A_86 = arith.cmpi ne, %convert_element_type3A_84, %cond3A_85 : i32
      scf.if %cond3A_86 {
        %add3A_192 = arith.constant 4 : i32
        %add3A_193 = arith.addi %add3A_60, %add3A_192 : i32
        %mul3A_194 = arith.constant 2 : i32
        %mul3A_195 = arith.muli %add3A_193, %mul3A_194 : i32
        %mul3A_196 = arith.constant 8 : i32
        %mul3A_197 = arith.muli %mul3A_195, %mul3A_196 : i32
        %add3A_198 = arith.addi %mul3A_2, %mul3A_197 : i32
        %dma_start3A_199 = arith.constant 0 : i32
        %dma_start3A_200 = tpu.memref_slice %arg2[%add3A_198, %dma_start3A_199] : memref<32768x1024xf32, #tpu.memory_space<hbm>> -> memref<16x1024xf32, #tpu.memory_space<hbm>>
        %dma_start3A_201 = arith.constant 0 : i32
        %dma_start3A_202 = tpu.memref_slice %arg2[%add3A_198, %dma_start3A_201] : memref<32768x1024xf32, #tpu.memory_space<hbm>> -> memref<16x1024xf32, #tpu.memory_space<hbm>>
        tpu.enqueue_dma source(%dma_start3A_202 : memref<16x1024xf32, #tpu.memory_space<hbm>>) target(%arg4 : memref<16x1024xf32, #tpu.memory_space<vmem>>) target_semaphore(%arg12 : memref<!tpu.dma_semaphore, #tpu.memory_space<semaphore_mem>>)
      } else {
      }
      %mul3A_87 = arith.constant 4 : i32
      %mul3A_88 = arith.muli %scan3A_56, %mul3A_87 : i32
      %add3A_89 = arith.constant 1 : i32
      %add3A_90 = arith.addi %mul3A_88, %add3A_89 : i32
      %mul3A_91 = arith.constant 2 : i32
      %mul3A_92 = arith.muli %add3A_90, %mul3A_91 : i32
      %mul3A_93 = arith.constant 8 : i32
      %mul3A_94 = arith.muli %mul3A_92, %mul3A_93 : i32
      %add3A_95 = arith.addi %mul3A_2, %mul3A_94 : i32
      %dma_wait3A_96 = arith.constant 0 : i32
      %dma_wait3A_97 = tpu.memref_slice %arg2[%add3A_95, %dma_wait3A_96] : memref<32768x1024xf32, #tpu.memory_space<hbm>> -> memref<16x1024xf32, #tpu.memory_space<hbm>>
      %dma_wait3A_98 = arith.constant 0 : i32
      %dma_wait3A_99 = tpu.memref_slice %arg2[%add3A_95, %dma_wait3A_98] : memref<32768x1024xf32, #tpu.memory_space<hbm>> -> memref<16x1024xf32, #tpu.memory_space<hbm>>
      tpu.wait_dma2 semaphore(%arg13 : memref<!tpu.dma_semaphore, #tpu.memory_space<semaphore_mem>>) src(%dma_wait3A_99 : memref<16x1024xf32, #tpu.memory_space<hbm>>) dst(%arg5 : memref<16x1024xf32, #tpu.memory_space<vmem>>)
      %ge3A_100 = arith.constant 4 : i32
      %ge3A_101 = arith.cmpi sge, %add3A_90, %ge3A_100 : i32
      %convert_element_type3A_102 = arith.extui %ge3A_101 : i1 to i32
      %cond3A_103 = arith.constant 0 : i32
      %cond3A_104 = arith.cmpi ne, %convert_element_type3A_102, %cond3A_103 : i32
      scf.if %cond3A_104 {
        %sub3A = arith.constant 4 : i32
        %sub3A_192 = arith.subi %add3A_90, %sub3A : i32
        %mul3A_193 = arith.constant 8 : i32
        %mul3A_194 = arith.muli %sub3A_192, %mul3A_193 : i32
        %add3A_195 = arith.addi %mul3A_4, %mul3A_194 : i32
        %dma_wait3A_196 = arith.constant 0 : i32
        %dma_wait3A_197 = tpu.memref_slice %arg3[%add3A_195, %dma_wait3A_196] : memref<16384x1024xf32, #tpu.memory_space<hbm>> -> memref<8x1024xf32, #tpu.memory_space<hbm>>
        %dma_wait3A_198 = arith.constant 0 : i32
        %dma_wait3A_199 = tpu.memref_slice %arg3[%add3A_195, %dma_wait3A_198] : memref<16384x1024xf32, #tpu.memory_space<hbm>> -> memref<8x1024xf32, #tpu.memory_space<hbm>>
        tpu.wait_dma2 semaphore(%arg17 : memref<!tpu.dma_semaphore, #tpu.memory_space<semaphore_mem>>) src(%arg9 : memref<8x1024xf32, #tpu.memory_space<vmem>>) dst(%dma_wait3A_199 : memref<8x1024xf32, #tpu.memory_space<hbm>>)
      } else {
      }
      %parallel_loop3A_105 = arith.constant 0 : i32
      %parallel_loop3A_106 = arith.constant 512 : i32
      %parallel_loop3A_107 = arith.constant 1 : i32
      scf.for %parallel_loop3A_192 = %parallel_loop3A_105 to %parallel_loop3A_106 step %parallel_loop3A_107  : i32 {
        %parallel_loop3A_193 = arith.constant 6 : i32
        %parallel_loop3A_194 = arith.shrsi %parallel_loop3A_192, %parallel_loop3A_193 : i32
        %parallel_loop3A_195 = arith.constant 63 : i32
        %parallel_loop3A_196 = arith.andi %parallel_loop3A_192, %parallel_loop3A_195 : i32
        %parallel_loop3A_197 = arith.constant 16 : i32
        %parallel_loop3A_198 = arith.muli %parallel_loop3A_196, %parallel_loop3A_197 : i32
        %parallel_loop3A_199 = arith.constant 2 : i32
        %parallel_loop3A_200 = arith.muli %parallel_loop3A_199, %parallel_loop3A_194 : i32
        %parallel_loop3A_201 = arith.index_cast %parallel_loop3A_200 : i32 to index
        %parallel_loop3A_202 = arith.index_cast %parallel_loop3A_198 : i32 to index
        %parallel_loop3A_203 = tpu.vector_load %arg5[%parallel_loop3A_201, %parallel_loop3A_202] {strides = array<i32>} : memref<16x1024xf32, #tpu.memory_space<vmem>>, vector<1x16xf32>,
        %parallel_loop3A_204 = vector.shape_cast %parallel_loop3A_203 : vector<1x16xf32> to vector<16xf32>
        %parallel_loop3A_205 = arith.constant 2 : i32
        %parallel_loop3A_206 = arith.muli %parallel_loop3A_205, %parallel_loop3A_194 : i32
        %parallel_loop3A_207 = arith.constant 1 : i32
        %parallel_loop3A_208 = arith.addi %parallel_loop3A_206, %parallel_loop3A_207 : i32
        %parallel_loop3A_209 = arith.index_cast %parallel_loop3A_208 : i32 to index
        %parallel_loop3A_210 = arith.index_cast %parallel_loop3A_198 : i32 to index
        %parallel_loop3A_211 = tpu.vector_load %arg5[%parallel_loop3A_209, %parallel_loop3A_210] {strides = array<i32>} : memref<16x1024xf32, #tpu.memory_space<vmem>>, vector<1x16xf32>,
        %parallel_loop3A_212 = vector.shape_cast %parallel_loop3A_211 : vector<1x16xf32> to vector<16xf32>
        %parallel_loop3A_213 = arith.addf %parallel_loop3A_204, %parallel_loop3A_212 : vector<16xf32>
        %parallel_loop3A_214 = arith.constant 5.000000e-01 : f32
        %parallel_loop3A_215 = vector.broadcast %parallel_loop3A_214 : f32 to vector<16xf32>
        %parallel_loop3A_216 = arith.mulf %parallel_loop3A_213, %parallel_loop3A_215 : vector<16xf32>
        %parallel_loop3A_217 = arith.index_cast %parallel_loop3A_194 : i32 to index
        %parallel_loop3A_218 = arith.index_cast %parallel_loop3A_198 : i32 to index
        %parallel_loop3A_219 = tpu.vector_load %arg9[%parallel_loop3A_217, %parallel_loop3A_218] {strides = array<i32>} : memref<8x1024xf32, #tpu.memory_space<vmem>>, vector<1x16xf32>,
        %parallel_loop3A_220 = vector.shape_cast %parallel_loop3A_219 : vector<1x16xf32> to vector<16xf32>
        %parallel_loop3A_221 = vector.shape_cast %parallel_loop3A_216 : vector<16xf32> to vector<1x16xf32>
        tpu.vector_store %arg9[%parallel_loop3A_217, %parallel_loop3A_218], %parallel_loop3A_221 {strides = array<i32>} : memref<8x1024xf32, #tpu.memory_space<vmem>>, vector<1x16xf32>,
      } {sc.loop_unroll_factor = 8 : i64, sc.parallel_access}
      %mul3A_108 = arith.constant 8 : i32
      %mul3A_109 = arith.muli %add3A_90, %mul3A_108 : i32
      %add3A_110 = arith.addi %mul3A_4, %mul3A_109 : i32
      %dma_start3A_111 = arith.constant 0 : i32
      %dma_start3A_112 = tpu.memref_slice %arg3[%add3A_110, %dma_start3A_111] : memref<16384x1024xf32, #tpu.memory_space<hbm>> -> memref<8x1024xf32, #tpu.memory_space<hbm>>
      %dma_start3A_113 = arith.constant 0 : i32
      %dma_start3A_114 = tpu.memref_slice %arg3[%add3A_110, %dma_start3A_113] : memref<16384x1024xf32, #tpu.memory_space<hbm>> -> memref<8x1024xf32, #tpu.memory_space<hbm>>
      tpu.enqueue_dma source(%arg9 : memref<8x1024xf32, #tpu.memory_space<vmem>>) target(%dma_start3A_114 : memref<8x1024xf32, #tpu.memory_space<hbm>>) target_semaphore(%arg17 : memref<!tpu.dma_semaphore, #tpu.memory_space<semaphore_mem>>)
      %add3A_115 = arith.constant 4 : i32
      %add3A_116 = arith.addi %add3A_90, %add3A_115 : i32
      %lt3A_117 = arith.constant 64 : i32
      %lt3A_118 = arith.cmpi slt, %add3A_116, %lt3A_117 : i32
      %convert_element_type3A_119 = arith.extui %lt3A_118 : i1 to i32
      %cond3A_120 = arith.constant 0 : i32
      %cond3A_121 = arith.cmpi ne, %convert_element_type3A_119, %cond3A_120 : i32
      scf.if %cond3A_121 {
        %add3A_192 = arith.constant 4 : i32
        %add3A_193 = arith.addi %add3A_90, %add3A_192 : i32
        %mul3A_194 = arith.constant 2 : i32
        %mul3A_195 = arith.muli %add3A_193, %mul3A_194 : i32
        %mul3A_196 = arith.constant 8 : i32
        %mul3A_197 = arith.muli %mul3A_195, %mul3A_196 : i32
        %add3A_198 = arith.addi %mul3A_2, %mul3A_197 : i32
        %dma_start3A_199 = arith.constant 0 : i32
        %dma_start3A_200 = tpu.memref_slice %arg2[%add3A_198, %dma_start3A_199] : memref<32768x1024xf32, #tpu.memory_space<hbm>> -> memref<16x1024xf32, #tpu.memory_space<hbm>>
        %dma_start3A_201 = arith.constant 0 : i32
        %dma_start3A_202 = tpu.memref_slice %arg2[%add3A_198, %dma_start3A_201] : memref<32768x1024xf32, #tpu.memory_space<hbm>> -> memref<16x1024xf32, #tpu.memory_space<hbm>>
        tpu.enqueue_dma source(%dma_start3A_202 : memref<16x1024xf32, #tpu.memory_space<hbm>>) target(%arg5 : memref<16x1024xf32, #tpu.memory_space<vmem>>) target_semaphore(%arg13 : memref<!tpu.dma_semaphore, #tpu.memory_space<semaphore_mem>>)
      } else {
      }
      %mul3A_122 = arith.constant 4 : i32
      %mul3A_123 = arith.muli %scan3A_56, %mul3A_122 : i32
      %add3A_124 = arith.constant 2 : i32
      %add3A_125 = arith.addi %mul3A_123, %add3A_124 : i32
      %mul3A_126 = arith.constant 2 : i32
      %mul3A_127 = arith.muli %add3A_125, %mul3A_126 : i32
      %mul3A_128 = arith.constant 8 : i32
      %mul3A_129 = arith.muli %mul3A_127, %mul3A_128 : i32
      %add3A_130 = arith.addi %mul3A_2, %mul3A_129 : i32
      %dma_wait3A_131 = arith.constant 0 : i32
      %dma_wait3A_132 = tpu.memref_slice %arg2[%add3A_130, %dma_wait3A_131] : memref<32768x1024xf32, #tpu.memory_space<hbm>> -> memref<16x1024xf32, #tpu.memory_space<hbm>>
      %dma_wait3A_133 = arith.constant 0 : i32
      %dma_wait3A_134 = tpu.memref_slice %arg2[%add3A_130, %dma_wait3A_133] : memref<32768x1024xf32, #tpu.memory_space<hbm>> -> memref<16x1024xf32, #tpu.memory_space<hbm>>
      tpu.wait_dma2 semaphore(%arg14 : memref<!tpu.dma_semaphore, #tpu.memory_space<semaphore_mem>>) src(%dma_wait3A_134 : memref<16x1024xf32, #tpu.memory_space<hbm>>) dst(%arg6 : memref<16x1024xf32, #tpu.memory_space<vmem>>)
      %ge3A_135 = arith.constant 4 : i32
      %ge3A_136 = arith.cmpi sge, %add3A_125, %ge3A_135 : i32
      %convert_element_type3A_137 = arith.extui %ge3A_136 : i1 to i32
      %cond3A_138 = arith.constant 0 : i32
      %cond3A_139 = arith.cmpi ne, %convert_element_type3A_137, %cond3A_138 : i32
      scf.if %cond3A_139 {
        %sub3A = arith.constant 4 : i32
        %sub3A_192 = arith.subi %add3A_125, %sub3A : i32
        %mul3A_193 = arith.constant 8 : i32
        %mul3A_194 = arith.muli %sub3A_192, %mul3A_193 : i32
        %add3A_195 = arith.addi %mul3A_4, %mul3A_194 : i32
        %dma_wait3A_196 = arith.constant 0 : i32
        %dma_wait3A_197 = tpu.memref_slice %arg3[%add3A_195, %dma_wait3A_196] : memref<16384x1024xf32, #tpu.memory_space<hbm>> -> memref<8x1024xf32, #tpu.memory_space<hbm>>
        %dma_wait3A_198 = arith.constant 0 : i32
        %dma_wait3A_199 = tpu.memref_slice %arg3[%add3A_195, %dma_wait3A_198] : memref<16384x1024xf32, #tpu.memory_space<hbm>> -> memref<8x1024xf32, #tpu.memory_space<hbm>>
        tpu.wait_dma2 semaphore(%arg18 : memref<!tpu.dma_semaphore, #tpu.memory_space<semaphore_mem>>) src(%arg10 : memref<8x1024xf32, #tpu.memory_space<vmem>>) dst(%dma_wait3A_199 : memref<8x1024xf32, #tpu.memory_space<hbm>>)
      } else {
      }
      %parallel_loop3A_140 = arith.constant 0 : i32
      %parallel_loop3A_141 = arith.constant 512 : i32
      %parallel_loop3A_142 = arith.constant 1 : i32
      scf.for %parallel_loop3A_192 = %parallel_loop3A_140 to %parallel_loop3A_141 step %parallel_loop3A_142  : i32 {
        %parallel_loop3A_193 = arith.constant 6 : i32
        %parallel_loop3A_194 = arith.shrsi %parallel_loop3A_192, %parallel_loop3A_193 : i32
        %parallel_loop3A_195 = arith.constant 63 : i32
        %parallel_loop3A_196 = arith.andi %parallel_loop3A_192, %parallel_loop3A_195 : i32
        %parallel_loop3A_197 = arith.constant 16 : i32
        %parallel_loop3A_198 = arith.muli %parallel_loop3A_196, %parallel_loop3A_197 : i32
        %parallel_loop3A_199 = arith.constant 2 : i32
        %parallel_loop3A_200 = arith.muli %parallel_loop3A_199, %parallel_loop3A_194 : i32
        %parallel_loop3A_201 = arith.index_cast %parallel_loop3A_200 : i32 to index
        %parallel_loop3A_202 = arith.index_cast %parallel_loop3A_198 : i32 to index
        %parallel_loop3A_203 = tpu.vector_load %arg6[%parallel_loop3A_201, %parallel_loop3A_202] {strides = array<i32>} : memref<16x1024xf32, #tpu.memory_space<vmem>>, vector<1x16xf32>,
        %parallel_loop3A_204 = vector.shape_cast %parallel_loop3A_203 : vector<1x16xf32> to vector<16xf32>
        %parallel_loop3A_205 = arith.constant 2 : i32
        %parallel_loop3A_206 = arith.muli %parallel_loop3A_205, %parallel_loop3A_194 : i32
        %parallel_loop3A_207 = arith.constant 1 : i32
        %parallel_loop3A_208 = arith.addi %parallel_loop3A_206, %parallel_loop3A_207 : i32
        %parallel_loop3A_209 = arith.index_cast %parallel_loop3A_208 : i32 to index
        %parallel_loop3A_210 = arith.index_cast %parallel_loop3A_198 : i32 to index
        %parallel_loop3A_211 = tpu.vector_load %arg6[%parallel_loop3A_209, %parallel_loop3A_210] {strides = array<i32>} : memref<16x1024xf32, #tpu.memory_space<vmem>>, vector<1x16xf32>,
        %parallel_loop3A_212 = vector.shape_cast %parallel_loop3A_211 : vector<1x16xf32> to vector<16xf32>
        %parallel_loop3A_213 = arith.addf %parallel_loop3A_204, %parallel_loop3A_212 : vector<16xf32>
        %parallel_loop3A_214 = arith.constant 5.000000e-01 : f32
        %parallel_loop3A_215 = vector.broadcast %parallel_loop3A_214 : f32 to vector<16xf32>
        %parallel_loop3A_216 = arith.mulf %parallel_loop3A_213, %parallel_loop3A_215 : vector<16xf32>
        %parallel_loop3A_217 = arith.index_cast %parallel_loop3A_194 : i32 to index
        %parallel_loop3A_218 = arith.index_cast %parallel_loop3A_198 : i32 to index
        %parallel_loop3A_219 = tpu.vector_load %arg10[%parallel_loop3A_217, %parallel_loop3A_218] {strides = array<i32>} : memref<8x1024xf32, #tpu.memory_space<vmem>>, vector<1x16xf32>,
        %parallel_loop3A_220 = vector.shape_cast %parallel_loop3A_219 : vector<1x16xf32> to vector<16xf32>
        %parallel_loop3A_221 = vector.shape_cast %parallel_loop3A_216 : vector<16xf32> to vector<1x16xf32>
        tpu.vector_store %arg10[%parallel_loop3A_217, %parallel_loop3A_218], %parallel_loop3A_221 {strides = array<i32>} : memref<8x1024xf32, #tpu.memory_space<vmem>>, vector<1x16xf32>,
      } {sc.loop_unroll_factor = 8 : i64, sc.parallel_access}
      %mul3A_143 = arith.constant 8 : i32
      %mul3A_144 = arith.muli %add3A_125, %mul3A_143 : i32
      %add3A_145 = arith.addi %mul3A_4, %mul3A_144 : i32
      %dma_start3A_146 = arith.constant 0 : i32
      %dma_start3A_147 = tpu.memref_slice %arg3[%add3A_145, %dma_start3A_146] : memref<16384x1024xf32, #tpu.memory_space<hbm>> -> memref<8x1024xf32, #tpu.memory_space<hbm>>
      %dma_start3A_148 = arith.constant 0 : i32
      %dma_start3A_149 = tpu.memref_slice %arg3[%add3A_145, %dma_start3A_148] : memref<16384x1024xf32, #tpu.memory_space<hbm>> -> memref<8x1024xf32, #tpu.memory_space<hbm>>
      tpu.enqueue_dma source(%arg10 : memref<8x1024xf32, #tpu.memory_space<vmem>>) target(%dma_start3A_149 : memref<8x1024xf32, #tpu.memory_space<hbm>>) target_semaphore(%arg18 : memref<!tpu.dma_semaphore, #tpu.memory_space<semaphore_mem>>)
      %add3A_150 = arith.constant 4 : i32
      %add3A_151 = arith.addi %add3A_125, %add3A_150 : i32
      %lt3A_152 = arith.constant 64 : i32
      %lt3A_153 = arith.cmpi slt, %add3A_151, %lt3A_152 : i32
      %convert_element_type3A_154 = arith.extui %lt3A_153 : i1 to i32
      %cond3A_155 = arith.constant 0 : i32
      %cond3A_156 = arith.cmpi ne, %convert_element_type3A_154, %cond3A_155 : i32
      scf.if %cond3A_156 {
        %add3A_192 = arith.constant 4 : i32
        %add3A_193 = arith.addi %add3A_125, %add3A_192 : i32
        %mul3A_194 = arith.constant 2 : i32
        %mul3A_195 = arith.muli %add3A_193, %mul3A_194 : i32
        %mul3A_196 = arith.constant 8 : i32
        %mul3A_197 = arith.muli %mul3A_195, %mul3A_196 : i32
        %add3A_198 = arith.addi %mul3A_2, %mul3A_197 : i32
        %dma_start3A_199 = arith.constant 0 : i32
        %dma_start3A_200 = tpu.memref_slice %arg2[%add3A_198, %dma_start3A_199] : memref<32768x1024xf32, #tpu.memory_space<hbm>> -> memref<16x1024xf32, #tpu.memory_space<hbm>>
        %dma_start3A_201 = arith.constant 0 : i32
        %dma_start3A_202 = tpu.memref_slice %arg2[%add3A_198, %dma_start3A_201] : memref<32768x1024xf32, #tpu.memory_space<hbm>> -> memref<16x1024xf32, #tpu.memory_space<hbm>>
        tpu.enqueue_dma source(%dma_start3A_202 : memref<16x1024xf32, #tpu.memory_space<hbm>>) target(%arg6 : memref<16x1024xf32, #tpu.memory_space<vmem>>) target_semaphore(%arg14 : memref<!tpu.dma_semaphore, #tpu.memory_space<semaphore_mem>>)
      } else {
      }
      %mul3A_157 = arith.constant 4 : i32
      %mul3A_158 = arith.muli %scan3A_56, %mul3A_157 : i32
      %add3A_159 = arith.constant 3 : i32
      %add3A_160 = arith.addi %mul3A_158, %add3A_159 : i32
      %mul3A_161 = arith.constant 2 : i32
      %mul3A_162 = arith.muli %add3A_160, %mul3A_161 : i32
      %mul3A_163 = arith.constant 8 : i32
      %mul3A_164 = arith.muli %mul3A_162, %mul3A_163 : i32
      %add3A_165 = arith.addi %mul3A_2, %mul3A_164 : i32
      %dma_wait3A_166 = arith.constant 0 : i32
      %dma_wait3A_167 = tpu.memref_slice %arg2[%add3A_165, %dma_wait3A_166] : memref<32768x1024xf32, #tpu.memory_space<hbm>> -> memref<16x1024xf32, #tpu.memory_space<hbm>>
      %dma_wait3A_168 = arith.constant 0 : i32
      %dma_wait3A_169 = tpu.memref_slice %arg2[%add3A_165, %dma_wait3A_168] : memref<32768x1024xf32, #tpu.memory_space<hbm>> -> memref<16x1024xf32, #tpu.memory_space<hbm>>
      tpu.wait_dma2 semaphore(%arg15 : memref<!tpu.dma_semaphore, #tpu.memory_space<semaphore_mem>>) src(%dma_wait3A_169 : memref<16x1024xf32, #tpu.memory_space<hbm>>) dst(%arg7 : memref<16x1024xf32, #tpu.memory_space<vmem>>)
      %ge3A_170 = arith.constant 4 : i32
      %ge3A_171 = arith.cmpi sge, %add3A_160, %ge3A_170 : i32
      %convert_element_type3A_172 = arith.extui %ge3A_171 : i1 to i32
      %cond3A_173 = arith.constant 0 : i32
      %cond3A_174 = arith.cmpi ne, %convert_element_type3A_172, %cond3A_173 : i32
      scf.if %cond3A_174 {
        %sub3A = arith.constant 4 : i32
        %sub3A_192 = arith.subi %add3A_160, %sub3A : i32
        %mul3A_193 = arith.constant 8 : i32
        %mul3A_194 = arith.muli %sub3A_192, %mul3A_193 : i32
        %add3A_195 = arith.addi %mul3A_4, %mul3A_194 : i32
        %dma_wait3A_196 = arith.constant 0 : i32
        %dma_wait3A_197 = tpu.memref_slice %arg3[%add3A_195, %dma_wait3A_196] : memref<16384x1024xf32, #tpu.memory_space<hbm>> -> memref<8x1024xf32, #tpu.memory_space<hbm>>
        %dma_wait3A_198 = arith.constant 0 : i32
        %dma_wait3A_199 = tpu.memref_slice %arg3[%add3A_195, %dma_wait3A_198] : memref<16384x1024xf32, #tpu.memory_space<hbm>> -> memref<8x1024xf32, #tpu.memory_space<hbm>>
        tpu.wait_dma2 semaphore(%arg19 : memref<!tpu.dma_semaphore, #tpu.memory_space<semaphore_mem>>) src(%arg11 : memref<8x1024xf32, #tpu.memory_space<vmem>>) dst(%dma_wait3A_199 : memref<8x1024xf32, #tpu.memory_space<hbm>>)
      } else {
      }
      %parallel_loop3A_175 = arith.constant 0 : i32
      %parallel_loop3A_176 = arith.constant 512 : i32
      %parallel_loop3A_177 = arith.constant 1 : i32
      scf.for %parallel_loop3A_192 = %parallel_loop3A_175 to %parallel_loop3A_176 step %parallel_loop3A_177  : i32 {
        %parallel_loop3A_193 = arith.constant 6 : i32
        %parallel_loop3A_194 = arith.shrsi %parallel_loop3A_192, %parallel_loop3A_193 : i32
        %parallel_loop3A_195 = arith.constant 63 : i32
        %parallel_loop3A_196 = arith.andi %parallel_loop3A_192, %parallel_loop3A_195 : i32
        %parallel_loop3A_197 = arith.constant 16 : i32
        %parallel_loop3A_198 = arith.muli %parallel_loop3A_196, %parallel_loop3A_197 : i32
        %parallel_loop3A_199 = arith.constant 2 : i32
        %parallel_loop3A_200 = arith.muli %parallel_loop3A_199, %parallel_loop3A_194 : i32
        %parallel_loop3A_201 = arith.index_cast %parallel_loop3A_200 : i32 to index
        %parallel_loop3A_202 = arith.index_cast %parallel_loop3A_198 : i32 to index
        %parallel_loop3A_203 = tpu.vector_load %arg7[%parallel_loop3A_201, %parallel_loop3A_202] {strides = array<i32>} : memref<16x1024xf32, #tpu.memory_space<vmem>>, vector<1x16xf32>,
        %parallel_loop3A_204 = vector.shape_cast %parallel_loop3A_203 : vector<1x16xf32> to vector<16xf32>
        %parallel_loop3A_205 = arith.constant 2 : i32
        %parallel_loop3A_206 = arith.muli %parallel_loop3A_205, %parallel_loop3A_194 : i32
        %parallel_loop3A_207 = arith.constant 1 : i32
        %parallel_loop3A_208 = arith.addi %parallel_loop3A_206, %parallel_loop3A_207 : i32
        %parallel_loop3A_209 = arith.index_cast %parallel_loop3A_208 : i32 to index
        %parallel_loop3A_210 = arith.index_cast %parallel_loop3A_198 : i32 to index
        %parallel_loop3A_211 = tpu.vector_load %arg7[%parallel_loop3A_209, %parallel_loop3A_210] {strides = array<i32>} : memref<16x1024xf32, #tpu.memory_space<vmem>>, vector<1x16xf32>,
        %parallel_loop3A_212 = vector.shape_cast %parallel_loop3A_211 : vector<1x16xf32> to vector<16xf32>
        %parallel_loop3A_213 = arith.addf %parallel_loop3A_204, %parallel_loop3A_212 : vector<16xf32>
        %parallel_loop3A_214 = arith.constant 5.000000e-01 : f32
        %parallel_loop3A_215 = vector.broadcast %parallel_loop3A_214 : f32 to vector<16xf32>
        %parallel_loop3A_216 = arith.mulf %parallel_loop3A_213, %parallel_loop3A_215 : vector<16xf32>
        %parallel_loop3A_217 = arith.index_cast %parallel_loop3A_194 : i32 to index
        %parallel_loop3A_218 = arith.index_cast %parallel_loop3A_198 : i32 to index
        %parallel_loop3A_219 = tpu.vector_load %arg11[%parallel_loop3A_217, %parallel_loop3A_218] {strides = array<i32>} : memref<8x1024xf32, #tpu.memory_space<vmem>>, vector<1x16xf32>,
        %parallel_loop3A_220 = vector.shape_cast %parallel_loop3A_219 : vector<1x16xf32> to vector<16xf32>
        %parallel_loop3A_221 = vector.shape_cast %parallel_loop3A_216 : vector<16xf32> to vector<1x16xf32>
        tpu.vector_store %arg11[%parallel_loop3A_217, %parallel_loop3A_218], %parallel_loop3A_221 {strides = array<i32>} : memref<8x1024xf32, #tpu.memory_space<vmem>>, vector<1x16xf32>,
      } {sc.loop_unroll_factor = 8 : i64, sc.parallel_access}
      %mul3A_178 = arith.constant 8 : i32
      %mul3A_179 = arith.muli %add3A_160, %mul3A_178 : i32
      %add3A_180 = arith.addi %mul3A_4, %mul3A_179 : i32
      %dma_start3A_181 = arith.constant 0 : i32
      %dma_start3A_182 = tpu.memref_slice %arg3[%add3A_180, %dma_start3A_181] : memref<16384x1024xf32, #tpu.memory_space<hbm>> -> memref<8x1024xf32, #tpu.memory_space<hbm>>
      %dma_start3A_183 = arith.constant 0 : i32
      %dma_start3A_184 = tpu.memref_slice %arg3[%add3A_180, %dma_start3A_183] : memref<16384x1024xf32, #tpu.memory_space<hbm>> -> memref<8x1024xf32, #tpu.memory_space<hbm>>
      tpu.enqueue_dma source(%arg11 : memref<8x1024xf32, #tpu.memory_space<vmem>>) target(%dma_start3A_184 : memref<8x1024xf32, #tpu.memory_space<hbm>>) target_semaphore(%arg19 : memref<!tpu.dma_semaphore, #tpu.memory_space<semaphore_mem>>)
      %add3A_185 = arith.constant 4 : i32
      %add3A_186 = arith.addi %add3A_160, %add3A_185 : i32
      %lt3A_187 = arith.constant 64 : i32
      %lt3A_188 = arith.cmpi slt, %add3A_186, %lt3A_187 : i32
      %convert_element_type3A_189 = arith.extui %lt3A_188 : i1 to i32
      %cond3A_190 = arith.constant 0 : i32
      %cond3A_191 = arith.cmpi ne, %convert_element_type3A_189, %cond3A_190 : i32
      scf.if %cond3A_191 {
        %add3A_192 = arith.constant 4 : i32
        %add3A_193 = arith.addi %add3A_160, %add3A_192 : i32
        %mul3A_194 = arith.constant 2 : i32
        %mul3A_195 = arith.muli %add3A_193, %mul3A_194 : i32
        %mul3A_196 = arith.constant 8 : i32
        %mul3A_197 = arith.muli %mul3A_195, %mul3A_196 : i32
        %add3A_198 = arith.addi %mul3A_2, %mul3A_197 : i32
        %dma_start3A_199 = arith.constant 0 : i32
        %dma_start3A_200 = tpu.memref_slice %arg2[%add3A_198, %dma_start3A_199] : memref<32768x1024xf32, #tpu.memory_space<hbm>> -> memref<16x1024xf32, #tpu.memory_space<hbm>>
        %dma_start3A_201 = arith.constant 0 : i32
        %dma_start3A_202 = tpu.memref_slice %arg2[%add3A_198, %dma_start3A_201] : memref<32768x1024xf32, #tpu.memory_space<hbm>> -> memref<16x1024xf32, #tpu.memory_space<hbm>>
        tpu.enqueue_dma source(%dma_start3A_202 : memref<16x1024xf32, #tpu.memory_space<hbm>>) target(%arg7 : memref<16x1024xf32, #tpu.memory_space<vmem>>) target_semaphore(%arg15 : memref<!tpu.dma_semaphore, #tpu.memory_space<semaphore_mem>>)
      } else {
      }
    }
    %scan3A_32 = arith.constant 16 : i32
    %add3A_33 = arith.constant 480 : i32
    %add3A_34 = arith.addi %mul3A_4, %add3A_33 : i32
    %dma_wait3A = arith.constant 0 : i32
    %dma_wait3A_35 = tpu.memref_slice %arg3[%add3A_34, %dma_wait3A] : memref<16384x1024xf32, #tpu.memory_space<hbm>> -> memref<8x1024xf32, #tpu.memory_space<hbm>>
    %dma_wait3A_36 = arith.constant 0 : i32
    %dma_wait3A_37 = tpu.memref_slice %arg3[%add3A_34, %dma_wait3A_36] : memref<16384x1024xf32, #tpu.memory_space<hbm>> -> memref<8x1024xf32, #tpu.memory_space<hbm>>
    tpu.wait_dma2 semaphore(%arg16 : memref<!tpu.dma_semaphore, #tpu.memory_space<semaphore_mem>>) src(%arg8 : memref<8x1024xf32, #tpu.memory_space<vmem>>) dst(%dma_wait3A_37 : memref<8x1024xf32, #tpu.memory_space<hbm>>)
    %add3A_38 = arith.constant 488 : i32
    %add3A_39 = arith.addi %mul3A_4, %add3A_38 : i32
    %dma_wait3A_40 = arith.constant 0 : i32
    %dma_wait3A_41 = tpu.memref_slice %arg3[%add3A_39, %dma_wait3A_40] : memref<16384x1024xf32, #tpu.memory_space<hbm>> -> memref<8x1024xf32, #tpu.memory_space<hbm>>
    %dma_wait3A_42 = arith.constant 0 : i32
    %dma_wait3A_43 = tpu.memref_slice %arg3[%add3A_39, %dma_wait3A_42] : memref<16384x1024xf32, #tpu.memory_space<hbm>> -> memref<8x1024xf32, #tpu.memory_space<hbm>>
    tpu.wait_dma2 semaphore(%arg17 : memref<!tpu.dma_semaphore, #tpu.memory_space<semaphore_mem>>) src(%arg9 : memref<8x1024xf32, #tpu.memory_space<vmem>>) dst(%dma_wait3A_43 : memref<8x1024xf32, #tpu.memory_space<hbm>>)
    %add3A_44 = arith.constant 496 : i32
    %add3A_45 = arith.addi %mul3A_4, %add3A_44 : i32
    %dma_wait3A_46 = arith.constant 0 : i32
    %dma_wait3A_47 = tpu.memref_slice %arg3[%add3A_45, %dma_wait3A_46] : memref<16384x1024xf32, #tpu.memory_space<hbm>> -> memref<8x1024xf32, #tpu.memory_space<hbm>>
    %dma_wait3A_48 = arith.constant 0 : i32
    %dma_wait3A_49 = tpu.memref_slice %arg3[%add3A_45, %dma_wait3A_48] : memref<16384x1024xf32, #tpu.memory_space<hbm>> -> memref<8x1024xf32, #tpu.memory_space<hbm>>
    tpu.wait_dma2 semaphore(%arg18 : memref<!tpu.dma_semaphore, #tpu.memory_space<semaphore_mem>>) src(%arg10 : memref<8x1024xf32, #tpu.memory_space<vmem>>) dst(%dma_wait3A_49 : memref<8x1024xf32, #tpu.memory_space<hbm>>)
    %add3A_50 = arith.constant 504 : i32
    %add3A_51 = arith.addi %mul3A_4, %add3A_50 : i32
    %dma_wait3A_52 = arith.constant 0 : i32
    %dma_wait3A_53 = tpu.memref_slice %arg3[%add3A_51, %dma_wait3A_52] : memref<16384x1024xf32, #tpu.memory_space<hbm>> -> memref<8x1024xf32, #tpu.memory_space<hbm>>
    %dma_wait3A_54 = arith.constant 0 : i32
    %dma_wait3A_55 = tpu.memref_slice %arg3[%add3A_51, %dma_wait3A_54] : memref<16384x1024xf32, #tpu.memory_space<hbm>> -> memref<8x1024xf32, #tpu.memory_space<hbm>>
    tpu.wait_dma2 semaphore(%arg19 : memref<!tpu.dma_semaphore, #tpu.memory_space<semaphore_mem>>) src(%arg11 : memref<8x1024xf32, #tpu.memory_space<vmem>>) dst(%dma_wait3A_55 : memref<8x1024xf32, #tpu.memory_space<hbm>>)
    return
  }
}

</mosaic_0001>

<sc_bundles>
// kernel: kernel.3.cloned.1.call-start
scs
__scs_entry_jumppad:
0x0: {  	(pc) =	sbr.rel $0x88, $3  }
0x1: {  	(tag) =	ssettag $0x0;
	lr =	simm.s32 $0x1  }
0x2: {  	[smem:$0x3FA0] =	sst lr;
	_ =	strace $0xD0000000  }
0x3: {  	_ = 	snop  }
0x4: {  	_ = 	snop  }
0x5: {  	_ = 	snop  }
0x6: {  	_ = 	snop  }
0x7: {  	_ = 	snop  }
__scs_overlays_trampoline_lowered:
0x8: {  	[smem:$0x3FAF] =	sst s0  }
0x9: {  	[smem:$0x3FB0] =	sst s1  }
0xa: {  	[smem:$0x3FB1] =	sst s2  }
0xb: {  	[smem:$0x3FB2] =	sst s3  }
0xc: {  	[smem:$0x3FB3] =	sst s4  }
0xd: {  	[smem:$0x3FB4] =	sst s5  }
0xe: {  	[smem:$0x3FB5] =	sst s6  }
0xf: {  	[smem:$0x3FB6] =	sst s7  }
0x10: {  	[smem:$0x3FB7] =	sst s8  }
0x11: {  	[smem:$0x3FB8] =	sst s9;
	s0 =	simm.s32 @!p0 $0x0  }
0x12: {  	s1 =	sld [smem:$0x3F9E];
	s0 =	simm.s32 @p0 $0x1  }
0x13: {  	[smem:$0x3FB9] =	sst s0;
	s0 =	simm.s32 @!p1 $0x0  }
0x14: {  	s2 =	sld [smem:$0x3F9D];
	s0 =	simm.s32 @p1 $0x1  }
0x15: {  	[smem:$0x3FBA] =	sst s0;
	s0 =	simm.s32 @!p2 $0x0  }
0x16: {  	s3 =	sld [smem:$0x3FDB];
	s0 =	simm.s32 @p2 $0x1  }
0x17: {  	s4 =	simm.s32 $0x1BF5;
	[smem:$0x3FBC] =	sst s0  }
0x18: {  	s0 =	sld [smem:$0x3F9F];
	_ =	swait.ge [sflag:s4], $0x0  }
0x19: {  	s7 =	sld [smem:$0x3FA0]  }
0x1a: {  	s8 =	sadd.s32 $0xFFFFE003, lr  }
0x1b: {  	s9 =	sadd.s32 $0xFFFFFEF7, lr;
	s5 =	simm.s32 $0xFFFFFFFF;
	p2 =	slt.u32 s8, $0xFFFFF086  }
0x1c: {  	p1 =	slt.u32 s9, $0xF7A;
	s5 =	simm.s32 @!p2 $0x0  }
0x1d: {  	s5 =	simm.s32 @p1 $0x1;
	p0 =	seq.s32 s7, s2  }
0x1e: {  	s7 =	smul.u32 @!p0 $0xF7A, s2;
	p2 =	seq.s32 @!p0 s5, $0x0  }
0x1f: {  	s9 =	smul.u32 $0xF7A, s1;
	s8 =	simm.s32 @!p0 $0x1BF5;
	p2 =	por !p2, p0  }
0x20: {  	[sflag:s8] =	ssyncset.s32 @!p0 $0xFFFFF086;
	s6 =	sadd.s32 @!p0 s3, s7;
	s7 =	simm.s32 @!p0 $0x108  }
0x21: {  	s3 =	sadd.s32 s3, s9;
	s6 =	sadd.s32 @!p0 $0x88, s6;
	s7 =	simm.s32 @p2 $0x1082  }
0x22: {  	[simem:s7], [sflag:s8] =	dma.local @!p0 [hbm:s6], $0xF7A  }
0x23: {  	s9 =	sor.u32 $0xD0000000, s2;
	s6 =	simm.s32 $0x108;
	_ =	swait.ge @!p0 [sflag:s8], $0x0  }
0x24: {  	s3 =	sadd.s32 $0x88, s3;
	s6 =	simm.s32 @!p1 $0x1082;
	[sflag:s4] =	ssyncset.s32 $0xFFFFF086  }
0x25: {  	[simem:s6], [sflag:s4] =	dma.local [hbm:s3], $0xF7A  }
0x26: {  	[smem:$0x3FA0] =	sst s1;
	(tag) =	ssettag s2;
	_ =	strace s9  }
0x27: {  	s1 =	sld [smem:$0x3FB0]  }
0x28: {  	s2 =	sld [smem:$0x3FB1]  }
0x29: {  	s4 =	sld [smem:$0x3FB3]  }
0x2a: {  	p0 =	seq.s32 s5, $0x0;
	s5 =	sld [smem:$0x3FB4]  }
0x2b: {  	s6 =	sld [smem:$0x3FB5]  }
0x2c: {  	s7 =	sld [smem:$0x3FB6]  }
0x2d: {  	s3 =	simm.s32 $0x108;
	s8 =	sld [smem:$0x3FB7]  }
0x2e: {  	s3 =	simm.s32 @!p0 $0x1082;
	s9 =	sld [smem:$0x3FB8]  }
0x2f: {  	lr =	sadd.s32 s0, s3;
	s0 =	sld [smem:$0x3FAF]  }
0x30: {  	s3 =	sld [smem:$0x3FB2]  }
0x31: {  	[smem:$0x3FBB] =	sst s10  }
0x32: {  	s10 =	sld [smem:$0x3FB9];
	_ =	sdelay $0x3  }
0x33: {  	p0 =	seq.s32 s10, $0x1;
	s10 =	sld [smem:$0x3FBB];
	_ =	sdelay $0x3  }
0x34: {  	[smem:$0x3FBB] =	sst s10  }
0x35: {  	s10 =	sld [smem:$0x3FBA];
	_ =	sdelay $0x3  }
0x36: {  	p1 =	seq.s32 s10, $0x1;
	s10 =	sld [smem:$0x3FBB];
	_ =	sdelay $0x3  }
0x37: {  	[smem:$0x3FBB] =	sst s10  }
0x38: {  	s10 =	sld [smem:$0x3FBC]  }
0x39: {  	_ = 	snop;
	(pc) =	sbr.ind lr, $3  }
0x3a: {  	_ = 	snop  }
0x3b: {  	_ = 	snop  }
0x3c: {  	p2 =	seq.s32 s10, $0x1;
	s10 =	sld [smem:$0x3FBB]  }
0x3d: {  	_ =	shalt  }
0x3e: {  	_ =	shalt  }
0x3f: {  	_ =	shalt  }
0x40: {  	_ =	shalt  }
0x41: {  	_ =	shalt  }
0x42: {  	_ =	shalt  }
0x43: {  	_ =	shalt  }
0x44: {  	_ =	shalt  }
0x45: {  	_ =	shalt  }
0x46: {  	_ =	shalt  }
0x47: {  	_ =	shalt  }
0x48: {  	_ =	shalt  }
0x49: {  	_ =	shalt  }
0x4a: {  	_ =	shalt  }
0x4b: {  	_ =	shalt  }
0x4c: {  	_ =	shalt  }
0x4d: {  	_ =	shalt  }
0x4e: {  	_ =	shalt  }
0x4f: {  	_ =	shalt  }
0x50: {  	_ =	shalt  }
0x51: {  	_ =	shalt  }
0x52: {  	_ =	shalt  }
0x53: {  	_ =	shalt  }
0x54: {  	_ =	shalt  }
0x55: {  	_ =	shalt  }
0x56: {  	_ =	shalt  }
0x57: {  	_ =	shalt  }
0x58: {  	_ =	shalt  }
0x59: {  	_ =	shalt  }
0x5a: {  	_ =	shalt  }
0x5b: {  	_ =	shalt  }
0x5c: {  	_ =	shalt  }
0x5d: {  	_ =	shalt  }
0x5e: {  	_ =	shalt  }
0x5f: {  	_ =	shalt  }
0x60: {  	_ =	shalt  }
0x61: {  	_ =	shalt  }
0x62: {  	_ =	shalt  }
0x63: {  	_ =	shalt  }
0x64: {  	_ =	shalt  }
0x65: {  	_ =	shalt  }
0x66: {  	_ =	shalt  }
0x67: {  	_ =	shalt  }
0x68: {  	_ =	shalt  }
0x69: {  	_ =	shalt  }
0x6a: {  	_ =	shalt  }
0x6b: {  	_ =	shalt  }
0x6c: {  	_ =	shalt  }
0x6d: {  	_ =	shalt  }
0x6e: {  	_ =	shalt  }
0x6f: {  	_ =	shalt  }
0x70: {  	_ =	shalt  }
0x71: {  	_ =	shalt  }
0x72: {  	_ =	shalt  }
0x73: {  	_ =	shalt  }
0x74: {  	_ =	shalt  }
0x75: {  	_ =	shalt  }
0x76: {  	_ =	shalt  }
0x77: {  	_ =	shalt  }
0x78: {  	_ =	shalt  }
0x79: {  	_ =	shalt  }
0x7a: {  	_ =	shalt  }
0x7b: {  	_ =	shalt  }
0x7c: {  	_ =	shalt  }
0x7d: {  	_ =	shalt  }
0x7e: {  	_ =	shalt  }
0x7f: {  	_ =	shalt  }
0x80: {  	_ =	shalt  }
0x81: {  	_ =	shalt  }
0x82: {  	_ =	shalt  }
0x83: {  	_ =	shalt  }
0x84: {  	_ =	shalt  }
0x85: {  	_ =	shalt  }
0x86: {  	_ =	shalt  }
0x87: {  	_ =	shalt  }
.Lfunc_end0:
.L_simem_size_0:
called_computation_lowered:
.L_overlay_start_0:
0x88: {  	s2 =	sld [smem:$0x3FD9]  }
0x89: {  	s3 =	sld [smem:$0x3FFE];
	_ =	sdelay $0x1  }
0x8a: {  	s1 =	srdreg.scid  }
0x8b: {  	s0 =	sand.u32 $0x1, s1  }
0x8c: {  	s18 =	sshll.u32 s0, $0xA;
	s2 =	sadd.s32 s3, s2  }
0x8d: {  	s2 =	sadd.s32 s2, s18  }
0x8e: {  	[smem:$0x3FC7] =	sst s2  }
0x8f: {  	_ = 	snop  }
0x90: {  	s2 =	sld [smem:$0x3FC9]  }
0x91: {  	s19 =	sld [smem:$0x3FD0];
	(tm) =	ssettm $0x1  }
0x92: {  	s4 =	sld [smem:$0x3FFB];
	_ =	sdelay $0x3  }
0x93: {  	_ =	strace s4  }
0x94: {  	s4 =	sld [smem:$0x3FFC];
	_ =	sdelay $0x3  }
0x95: {  	_ =	strace s4  }
0x96: {  	s4 =	sld [smem:$0x3FFD];
	_ =	sdelay $0x3  }
0x97: {  	_ =	strace s4  }
0x98: {  	_ =	strace $0x8FFFFFFF  }
0x99: {  	s20 =	sld [smem:$0x3FDB];
	_ =	sdelay $0x1  }
0x9a: {  	s5 =	simm.s32 $_scs_section_size  }
0x9b: {  	s6 =	simm.s32 $_size__tile_overlayer_lowered;
	s7 =	simm.s32 $_tile_overlayer_lowered  }
0x9c: {  	s23 =	simm.s32 $0x1BFF;
	s22 =	sshll.u32 s7, $0x1;
	s4 =	sadd.s32 s5, s20  }
0x9d: {  	s8 =	simm.s32 $0x0;
	s21 =	sshll.u32 s6, $0x1;
	s6 =	sadd.s32 s22, s4  }
0x9e: {  	[timem:s8], [sflag:s23] =	dma.local [hbm:s6], s21  }
0x9f: {  	_ =	swait.ge [sflag:s23], s21  }
0xa0: {  	s5 =	ssub.s32 $0x0, s21;
	[sflag:s23] =	ssyncset.done $0x0  }
0xa1: {  	[sflag:s23] =	ssyncadd.s32 s5;
	_ =	sdelay $0x1  }
0xa2: {  	s24 =	simm.s32 $0x1B8B  }
0xa3: {  	_ =	swait.ge [sflag:s24], $0x1  }
0xa4: {  	[sflag:s24] =	ssyncset.done $0x0  }
0xa5: {  	s25 =	simm.s32 $0x1B8E;
	[sflag:s24] =	ssyncadd.s32 $0xFFFFFFFF  }
0xa6: {  	s26 =	simm.s32 $execute0_lowered;
	[smem:$0x3FD2] =	sst s25  }
0xa7: {  	s5 =	sshll.u32 s26, $0x1;
	_ =	strace $0x80000046;
	[dreg:$0x1] =	wrdreg $0xFFFFFFFF  }
0xa8: {  	s28 =	simm.s32 $_size_execute0_lowered;
	s4 =	sadd.s32 s4, s5;
	[dreg:$0x0] =	wrdreg $0x0  }
0xa9: {  	s5 =	sshll.u32 s28, $0x1;
	[dreg:$0x2] =	wrdreg s4  }
0xaa: {  	[dreg:$0x3] =	wrdreg s5  }
0xab: {  	[dreg:$0x4] =	wrdreg $0xC0  }
0xac: {  	_ =	task [dreg:s8], $0x5FFFF  }
0xad: {  	[dreg:$0x1] =	wrdreg $0xFFFFFFFF  }
0xae: {  	[dreg:$0x0] =	wrdreg $0x60  }
0xaf: {  	[dreg:$0x2] =	wrdreg s2  }
0xb0: {  	[dreg:$0x3] =	wrdreg s19  }
0xb1: {  	[dreg:$0x4] =	wrdreg $0x9  }
0xb2: {  	_ =	task.clear_ibuf [dreg:s8], $0x5FFFF;
	_ =	strace $0x90000046  }
0xb3: {  	s29 =	simm.s32 $0x9;
	_ =	strace $0x80000048  }
0xb4: {  	_ =	swait.ge [sflag:s29], $0x1  }
0xb5: {  	[sflag:s29] =	ssyncadd.s32 $0xFFFFFFFF  }
0xb6: {  	_ =	strace $0x90000048  }
0xb7: {  	_ =	sfence  }
0xb8: {  	s30 =	sld [smem:$0x0];
	_ =	sdelay $0x2  }
0xb9: {  	s31 =	sshll.u32 s1, $0xD;
	s1 =	sshrl.u32 s1, $0x2  }
0xba: {  	s3 =	sand.u32 $0x4000, s31;
	s1 =	sadd.s32 s1, s30  }
0xbb: {  	s0 =	sor.u32 s3, s0;
	s1 =	sshll.u32 s1, $0x11  }
0xbc: {  	s0 =	sor.u32 s1, s0  }
0xbd: {  	s0 =	sadd.s32 $0x8F2B, s0  }
0xbe: {  	[sflag:s0] =	ssyncadd.remote.s32 $0x1  }
0xbf: {  	_ =	sfence.sel $0xFFFF  }
0xc0: {  	[dreg:$0x0] =	wrdreg $0xFFFFFFFF;
	(pc) =	sbr.abs _section_cstart, $3  }
0xc1: {  	[dreg:$0x1] =	wrdreg $0xFFFFFFFF  }
0xc2: {  	_ =	task.clear_ibuf [dreg:s8], $0x2FFFF;
	_ =	strace $0x9FFFFFFF  }
0xc3: {  	(tm) =	ssettm $0x7FFFFFFF  }
tec
execute0_lowered:
.L_overlay_start_1:
0x0: {  	(tag) =	ssettag $0x1  }
0x1: {  	s0 =	rddreg [dreg:$0x0]  }
0x2: {  	s2 =	rddreg [dreg:$0x1];
	s1 =	srdreg.scid  }
0x3: {  	s3 =	stileid.u32;
	s17 =	simm.s32 $0xC000;
	s18 =	simm.s32 $0x1  }
0x4: {  	s19 =	simm.s32 $0x10000;
	s20 =	simm.s32 $0x2;
	s21 =	simm.s32 $0x6  }
0x5: {  	s22 =	simm.s32 $0x12000;
	s23 =	simm.s32 $0x3;
	s28 =	simm.s32 $0x8  }
0x6: {  	s29 =	simm.s32 $0x16000;
	s1 =	sand.u32 $0x1, s1;
	s4 =	sshll.u32 s3, $0x1  }
0x7: {  	s3 =	simm.s32 $0x0;
	s5 =	ssub.s32 $0x2, s1;
	s1 =	sor.u32 s1, s4  }
0x8: {  	[smem:$0x7FF] =	sst s3;
	s24 =	sshrl.u32 s5, $0x1;
	s6 =	sshll.u32 s1, $0x11  }
0x9: {  	_ =	strace $0x80000047;
	s25 =	sshll.u32 s1, $0x10;
	s4 =	ssub.s32 s5, s24  }
0xa: {  	s6 =	sadd.s32 s0, s6;
	s5 =	sshll.u32 s1, $0x9;
	s9 =	sadd.s32 s2, s25  }
0xb: {  	s24 =	simm.s32 $0x7;
	s25 =	simm.s32 $0x14000;
	s1 =	simm.s32 $0x0  }
.Ltmp0:
0xc: {  	s0 =	sadd.s32 $0x800, s6;
	[dreg:$0x3] =	wrdreg s6;
	(pc) =	sbr.rel .LBB2_1-.Ltmp0, $4  }
0xd: {  	s26 =	sadd.s32 $0x1000, s6;
	s30 =	sadd.s32 $0x1800, s6;
	[dreg:$0x4] =	wrdreg s0  }
0xe: {  	s10 =	sadd.s32 $0x2000, s6;
	s11 =	sadd.s32 $0x2800, s6;
	[dreg:$0x5] =	wrdreg s26  }
0xf: {  	s12 =	sadd.s32 $0x3000, s6;
	s31 =	smax.u32 s4, $0x1;
	[dreg:$0x6] =	wrdreg s30  }
0x10: {  	s13 =	sadd.s32 $0x3800, s6;
	[dreg:$0x7] =	wrdreg s31;
	s26 =	simm.s32 $0x4  }
.LBB2_24:
0x11: {  	s0 =	simm.s32 $0x5  }
0x12: {  	_ =	swait.ge [sflag:s0], $0x2000  }
0x13: {  	[sflag:s0] =	ssyncset.done $0x0  }
0x14: {  	[sflag:s0] =	ssyncadd.s32 $0xFFFFE000  }
0x15: {  	_ =	swait.ge [sflag:s21], $0x2000  }
0x16: {  	[sflag:s21] =	ssyncset.done $0x0  }
0x17: {  	[sflag:s21] =	ssyncadd.s32 $0xFFFFE000  }
0x18: {  	_ =	swait.ge [sflag:s24], $0x2000  }
0x19: {  	[sflag:s24] =	ssyncset.done $0x0  }
0x1a: {  	[sflag:s24] =	ssyncadd.s32 $0xFFFFE000  }
0x1b: {  	_ =	swait.ge [sflag:s28], $0x2000  }
0x1c: {  	s1 =	rddreg [dreg:$0x8]  }
0x1d: {  	s31 =	rddreg [dreg:$0x7];
	s1 =	sadd.s32 $0x1, s1  }
0x1e: {  	p0 =	sne.s32 s1, s31  }
.Ltmp1:
0x1f: {  	_ = 	snop;
	(pc) =	sbr.rel @!p0 .LBB2_25-.Ltmp1, $3  }
0x20: {  	_ =	sdelay $0x1  }
0x21: {  	[sflag:s28] =	ssyncset.done $0x0  }
0x22: {  	[sflag:s28] =	ssyncadd.s32 $0xFFFFE000  }
.LBB2_1:
0x23: {  	[dreg:$0x8] =	wrdreg s1  }
0x24: {  	s0 =	rddreg [dreg:$0x3]  }
0x25: {  	[tilespmem:s3], [sflag:$0x1] =	stream.linear.gather [hbm4b:s0+s3], $0x4000, $0x38;
	[tilespmem:$0x18000] =	vst v63  }
0x26: {  	s14 =	rddreg [dreg:$0x4];
	s15 =	simm.s32 $0x4000  }
0x27: {  	[tilespmem:s15], [sflag:$0x2] =	stream.linear.gather [hbm4b:s14+s3], $0x4000, $0x38;
	[tilespmem:$0x18000] =	vst v63  }
0x28: {  	s16 =	rddreg [dreg:$0x5];
	s30 =	simm.s32 $0x8000  }
0x29: {  	[tilespmem:s30], [sflag:$0x3] =	stream.linear.gather [hbm4b:s16+s3], $0x4000, $0x38;
	[tilespmem:$0x18000] =	vst v63  }
0x2a: {  	s31 =	rddreg [dreg:$0x6];
	s0 =	simm.s32 $0x0  }
0x2b: {  	[tilespmem:s17], [sflag:$0x4] =	stream.linear.gather [hbm4b:s31+s3], $0x4000, $0x38;
	[tilespmem:$0x18000] =	vst v63  }
.LBB2_2:
0x2c: {  	_ =	swait.ge [sflag:s18], $0x4000;
	p0 =	seq.s32 s0, $0x0  }
0x2d: {  	s4 =	simm.s32 $0x0;
	s7 =	simm.s32 $0x0;
	[sflag:s18] =	ssyncset.done $0x0  }
0x2e: {  	s6 =	simm.s32 $0x0;
	s1 =	simm.s32 @!p0 $0x5;
	[sflag:s18] =	ssyncadd.s32 $0xFFFFC000  }
0x2f: {  	s7 =	sand.u32 $0x2000, s7;
	s4 =	sand.u32 $0x300, s4;
	_ =	swait.ge @!p0 [sflag:s1], $0x2000  }
0x30: {  	s14 =	sand.u32 $0x1C00, s6;
	s4 =	sor.u32 s4, s7;
	[sflag:s1] =	ssyncset.done @!p0 $0x0  }
0x31: {  	s8 =	sor.u32 s14, s4;
	[sflag:s1] =	ssyncadd.s32 @!p0 $0xFFFFE000  }
0x32: {  	v1 =	vld [tilespmem:s8+$0x70]  }
0x33: {  	v2 =	vld [tilespmem:s8+$0xF0]  }
0x34: {  	v4 =	vld [tilespmem:s8+$0x0]  }
0x35: {  	v5 =	vld [tilespmem:s8+$0x80]  }
0x36: {  	v6 =	vld [tilespmem:s8+$0x10]  }
0x37: {  	v7 =	vld [tilespmem:s8+$0x90]  }
0x38: {  	s31 =	simm.s32 $0x0;
	v0 =	vld [tilespmem:s8+$0x20];
	v2 =	vadd.f32 v2, v1  }
0x39: {  	s1 =	sand.u32 $0x3FFFFF80, s31;
	v3 =	vld [tilespmem:s8+$0xA0]  }
0x3a: {  	s14 =	sadd.s32 s14, s1;
	v5 =	vadd.f32 v5, v4;
	v1 =	vld [tilespmem:s8+$0x30];
	v8 =	vmul.f32 $5.000000000e-01, v2  }
0x3b: {  	s7 =	sadd.s32 $0x10000, s14;
	v4 =	vld [tilespmem:s8+$0xB0]  }
0x3c: {  	s4 =	simm.s32 $0x0;
	s1 =	sshll.u32 s0, $0xD;
	v6 =	vadd.f32 v7, v6;
	v5 =	vmul.f32 $5.000000000e-01, v5;
	v2 =	vld [tilespmem:s8+$0x40];
	[tilespmem:s7+$0x70] =	vst v8  }
.LBB2_3:
0x3d: {  	s4 =	sadd.s32 $0x8, s4;
	v7 =	vld [tilespmem:s8+$0xC0]  }
0x3e: {  	s30 =	sshll.u32 s4, $0x2;
	s31 =	sshll.u32 s4, $0x5;
	p1 =	slt.u32 s4, $0x1F8;
	[tilespmem:s14+$0x10000] =	vst v5;
	v5 =	vmul.f32 $5.000000000e-01, v6;
	v0 =	vadd.f32 v3, v0;
	v3 =	vld [tilespmem:s8+$0x50]  }
0x3f: {  	s6 =	sadd.s32 $0x400, s6;
	s14 =	sand.u32 $0x2000, s31;
	s30 =	sand.u32 $0x300, s30;
	v6 =	vld [tilespmem:s8+$0xD0]  }
0x40: {  	s31 =	sand.u32 $0x1C00, s6;
	s14 =	sor.u32 s30, s14;
	[tilespmem:s7+$0x10] =	vst v5;
	v0 =	vmul.f32 $5.000000000e-01, v0;
	v1 =	vadd.f32 v4, v1;
	v4 =	vld [tilespmem:s8+$0x60]  }
0x41: {  	v5 =	vld [tilespmem:s8+$0xE0];
	s8 =	sor.u32 s31, s14  }
0x42: {  	v8 =	vld [tilespmem:s8+$0x70];
	[tilespmem:s7+$0x20] =	vst v0;
	v0 =	vmul.f32 $5.000000000e-01, v1;
	v1 =	vadd.f32 v7, v2  }
0x43: {  	v2 =	vld [tilespmem:s8+$0xF0]  }
0x44: {  	v7 =	vld [tilespmem:s8+$0x0];
	[tilespmem:s7+$0x30] =	vst v0;
	v0 =	vmul.f32 $5.000000000e-01, v1;
	v1 =	vadd.f32 v6, v3  }
0x45: {  	v6 =	vld [tilespmem:s8+$0x80]  }
0x46: {  	v9 =	vld [tilespmem:s8+$0x10];
	[tilespmem:s7+$0x40] =	vst v0;
	v1 =	vmul.f32 $5.000000000e-01, v1;
	v3 =	vadd.f32 v5, v4  }
0x47: {  	v10 =	vld [tilespmem:s8+$0x90]  }
.Ltmp2:
0x48: {  	s14 =	sshll.u32 s4, $0x1;
	v0 =	vld [tilespmem:s8+$0x20];
	v2 =	vadd.f32 v2, v8;
	[tilespmem:s7+$0x50] =	vst v1;
	v4 =	vmul.f32 $5.000000000e-01, v3;
	(pc) =	sbr.rel @p1 .LBB2_3-.Ltmp2, $4  }
0x49: {  	s14 =	sand.u32 $0x3FFFFF80, s14;
	v3 =	vld [tilespmem:s8+$0xA0]  }
0x4a: {  	s14 =	sadd.s32 s31, s14;
	v5 =	vadd.f32 v6, v7;
	v1 =	vld [tilespmem:s8+$0x30];
	v7 =	vmul.f32 $5.000000000e-01, v2;
	[tilespmem:s7+$0x60] =	vst v4  }
0x4b: {  	s7 =	sadd.s32 $0x10000, s14;
	v4 =	vld [tilespmem:s8+$0xB0]  }
0x4c: {  	v5 =	vmul.f32 $5.000000000e-01, v5;
	v6 =	vadd.f32 v10, v9;
	v2 =	vld [tilespmem:s8+$0x40];
	[tilespmem:s7+$0x70] =	vst v7  }
0x4d: {  	v7 =	vld [tilespmem:s8+$0xC0]  }
0x4e: {  	v8 =	vld [tilespmem:s8+$0x50]  }
0x4f: {  	v9 =	vld [tilespmem:s8+$0xD0]  }
0x50: {  	v10 =	vld [tilespmem:s8+$0x60]  }
0x51: {  	v11 =	vld [tilespmem:s8+$0xE0]  }
0x52: {  	v0 =	vadd.f32 v3, v0  }
0x53: {  	v58 =	vmul.f32 $5.000000000e-01, v6;
	v1 =	vadd.f32 v4, v1  }
0x54: {  	[tilespmem:s14+$0x10000] =	vst v5;
	v0 =	vmul.f32 $5.000000000e-01, v0;
	v2 =	vadd.f32 v7, v2  }
0x55: {  	[tilespmem:s7+$0x10] =	vst v58;
	v1 =	vmul.f32 $5.000000000e-01, v1;
	v59 =	vadd.f32 v9, v8  }
0x56: {  	p1 =	sne.s32 s0, $0xF;
	[tilespmem:s7+$0x20] =	vst v0;
	v61 =	vadd.f32 v11, v10;
	v60 =	vmul.f32 $5.000000000e-01, v2  }
.Ltmp3:
0x57: {  	[tilespmem:s7+$0x30] =	vst v1;
	v62 =	vmul.f32 $5.000000000e-01, v59;
	(pc) =	sbr.rel @p1 .LBB2_6-.Ltmp3, $4  }
0x58: {  	v63 =	vmul.f32 $5.000000000e-01, v61;
	[tilespmem:s7+$0x40] =	vst v60  }
0x59: {  	s4 =	sshll.u32 s0, $0xC;
	[tilespmem:s7+$0x50] =	vst v62  }
0x5a: {  	s6 =	sadd.s32 s4, s9;
	[tilespmem:s7+$0x60] =	vst v63  }
0x5b: {  	[hbm4b:s6+s3] =	stream.linear.scatter [tilespmem:s19], [sflag:$0x5], $0x2000, $0x38;
	[tilespmem:$0x18000] =	vst v63  }
.Ltmp4:
0x5c: {  	(pc) =	sbr.rel .LBB2_7-.Ltmp4, $4  }
0x5d: {  	_ = 	snop  }
0x5e: {  	_ =	swait.ge [sflag:s20], $0x4000  }
0x5f: {  	[sflag:s20] =	ssyncset.done $0x0  }
0x60: {  	[sflag:s20] =	ssyncadd.s32 $0xFFFFC000  }
.LBB2_6:
.Ltmp5:
0x61: {  	s4 =	sadd.s32 s1, s10;
	(pc) =	sbr.rel @p0 .LBB2_8-.Ltmp5, $4  }
0x62: {  	[tilespmem:s3], [sflag:$0x1] =	stream.linear.gather [hbm4b:s4+s3], $0x4000, $0x38;
	[tilespmem:$0x18000] =	vst v63  }
0x63: {  	_ =	swait.ge [sflag:s20], $0x4000  }
0x64: {  	[sflag:s20] =	ssyncset.done $0x0  }
0x65: {  	[sflag:s20] =	ssyncadd.s32 $0xFFFFC000  }
.LBB2_7:
0x66: {  	_ =	swait.ge [sflag:s21], $0x2000  }
0x67: {  	[sflag:s21] =	ssyncset.done $0x0  }
0x68: {  	[sflag:s21] =	ssyncadd.s32 $0xFFFFE000  }
.LBB2_8:
0x69: {  	s4 =	simm.s32 $0x0;
	s8 =	simm.s32 $0x0  }
0x6a: {  	s7 =	simm.s32 $0x0;
	s8 =	sand.u32 $0x2000, s8;
	s4 =	sand.u32 $0x300, s4  }
0x6b: {  	s30 =	sand.u32 $0x1C00, s7;
	s4 =	sor.u32 s4, s8  }
0x6c: {  	s14 =	sor.u32 s30, s4  }
0x6d: {  	v1 =	vld [tilespmem:s14+$0x4070]  }
0x6e: {  	v2 =	vld [tilespmem:s14+$0x40F0]  }
0x6f: {  	v4 =	vld [tilespmem:s14+$0x4000]  }
0x70: {  	v5 =	vld [tilespmem:s14+$0x4080]  }
0x71: {  	v6 =	vld [tilespmem:s14+$0x4010]  }
0x72: {  	v7 =	vld [tilespmem:s14+$0x4090]  }
0x73: {  	s31 =	simm.s32 $0x0;
	v0 =	vld [tilespmem:s14+$0x4020];
	v2 =	vadd.f32 v2, v1  }
0x74: {  	s4 =	sand.u32 $0x3FFFFF80, s31;
	v3 =	vld [tilespmem:s14+$0x40A0]  }
0x75: {  	s30 =	sadd.s32 s30, s4;
	v5 =	vadd.f32 v5, v4;
	v1 =	vld [tilespmem:s14+$0x4030];
	v8 =	vmul.f32 $5.000000000e-01, v2  }
0x76: {  	s8 =	sadd.s32 $0x12000, s30;
	v4 =	vld [tilespmem:s14+$0x40B0]  }
0x77: {  	s4 =	simm.s32 $0x0;
	v6 =	vadd.f32 v7, v6;
	v5 =	vmul.f32 $5.000000000e-01, v5;
	v2 =	vld [tilespmem:s14+$0x4040];
	[tilespmem:s8+$0x70] =	vst v8  }
.LBB2_9:
0x78: {  	s4 =	sadd.s32 $0x8, s4;
	v7 =	vld [tilespmem:s14+$0x40C0]  }
0x79: {  	s31 =	sshll.u32 s4, $0x2;
	s15 =	sshll.u32 s4, $0x5;
	p2 =	slt.u32 s4, $0x1F8;
	[tilespmem:s30+$0x12000] =	vst v5;
	v5 =	vmul.f32 $5.000000000e-01, v6;
	v0 =	vadd.f32 v3, v0;
	v3 =	vld [tilespmem:s14+$0x4050]  }
0x7a: {  	s7 =	sadd.s32 $0x400, s7;
	s15 =	sand.u32 $0x2000, s15;
	s30 =	sand.u32 $0x300, s31;
	v6 =	vld [tilespmem:s14+$0x40D0]  }
0x7b: {  	s31 =	sand.u32 $0x1C00, s7;
	s15 =	sor.u32 s30, s15;
	[tilespmem:s8+$0x10] =	vst v5;
	v0 =	vmul.f32 $5.000000000e-01, v0;
	v1 =	vadd.f32 v4, v1;
	v4 =	vld [tilespmem:s14+$0x4060]  }
0x7c: {  	v5 =	vld [tilespmem:s14+$0x40E0];
	s14 =	sor.u32 s31, s15  }
0x7d: {  	v8 =	vld [tilespmem:s14+$0x4070];
	[tilespmem:s8+$0x20] =	vst v0;
	v0 =	vmul.f32 $5.000000000e-01, v1;
	v1 =	vadd.f32 v7, v2  }
0x7e: {  	v2 =	vld [tilespmem:s14+$0x40F0]  }
0x7f: {  	v7 =	vld [tilespmem:s14+$0x4000];
	[tilespmem:s8+$0x30] =	vst v0;
	v0 =	vmul.f32 $5.000000000e-01, v1;
	v1 =	vadd.f32 v6, v3  }
0x80: {  	v6 =	vld [tilespmem:s14+$0x4080]  }
0x81: {  	v9 =	vld [tilespmem:s14+$0x4010];
	[tilespmem:s8+$0x40] =	vst v0;
	v1 =	vmul.f32 $5.000000000e-01, v1;
	v3 =	vadd.f32 v5, v4  }
0x82: {  	v10 =	vld [tilespmem:s14+$0x4090]  }
.Ltmp6:
0x83: {  	s15 =	sshll.u32 s4, $0x1;
	v0 =	vld [tilespmem:s14+$0x4020];
	v2 =	vadd.f32 v2, v8;
	[tilespmem:s8+$0x50] =	vst v1;
	v4 =	vmul.f32 $5.000000000e-01, v3;
	(pc) =	sbr.rel @p2 .LBB2_9-.Ltmp6, $4  }
0x84: {  	s15 =	sand.u32 $0x3FFFFF80, s15;
	v3 =	vld [tilespmem:s14+$0x40A0]  }
0x85: {  	s30 =	sadd.s32 s31, s15;
	v5 =	vadd.f32 v6, v7;
	v1 =	vld [tilespmem:s14+$0x4030];
	v7 =	vmul.f32 $5.000000000e-01, v2;
	[tilespmem:s8+$0x60] =	vst v4  }
0x86: {  	s8 =	sadd.s32 $0x12000, s30;
	v4 =	vld [tilespmem:s14+$0x40B0]  }
0x87: {  	v5 =	vmul.f32 $5.000000000e-01, v5;
	v6 =	vadd.f32 v10, v9;
	v2 =	vld [tilespmem:s14+$0x4040];
	[tilespmem:s8+$0x70] =	vst v7  }
0x88: {  	v7 =	vld [tilespmem:s14+$0x40C0]  }
0x89: {  	v8 =	vld [tilespmem:s14+$0x4050]  }
0x8a: {  	v9 =	vld [tilespmem:s14+$0x40D0]  }
0x8b: {  	v10 =	vld [tilespmem:s14+$0x4060]  }
0x8c: {  	v11 =	vld [tilespmem:s14+$0x40E0]  }
0x8d: {  	v0 =	vadd.f32 v3, v0  }
0x8e: {  	v58 =	vmul.f32 $5.000000000e-01, v6;
	v1 =	vadd.f32 v4, v1  }
0x8f: {  	[tilespmem:s30+$0x12000] =	vst v5;
	v0 =	vmul.f32 $5.000000000e-01, v0;
	v2 =	vadd.f32 v7, v2  }
0x90: {  	[tilespmem:s8+$0x10] =	vst v58;
	v1 =	vmul.f32 $5.000000000e-01, v1;
	v59 =	vadd.f32 v9, v8  }
0x91: {  	s4 =	sshll.u32 s0, $0x5;
	[tilespmem:s8+$0x20] =	vst v0;
	v61 =	vadd.f32 v11, v10;
	v60 =	vmul.f32 $5.000000000e-01, v2  }
.Ltmp7:
0x92: {  	s4 =	sadd.s32 s4, s5;
	[tilespmem:s8+$0x30] =	vst v1;
	v62 =	vmul.f32 $5.000000000e-01, v59;
	(pc) =	sbr.rel @p1 .LBB2_12-.Ltmp7, $4  }
0x93: {  	s4 =	sshll.u32 s4, $0x7;
	v63 =	vmul.f32 $5.000000000e-01, v61;
	[tilespmem:s8+$0x40] =	vst v60  }
0x94: {  	s7 =	sadd.s32 s2, s4;
	[tilespmem:s8+$0x50] =	vst v62  }
0x95: {  	s4 =	sadd.s32 $0x400, s7;
	[tilespmem:s8+$0x60] =	vst v63  }
0x96: {  	[hbm4b:s4+s3] =	stream.linear.scatter [tilespmem:s22], [sflag:$0x6], $0x2000, $0x38;
	[tilespmem:$0x18000] =	vst v63  }
.Ltmp8:
0x97: {  	(pc) =	sbr.rel .LBB2_13-.Ltmp8, $4  }
0x98: {  	_ = 	snop  }
0x99: {  	_ =	swait.ge [sflag:s23], $0x4000  }
0x9a: {  	[sflag:s23] =	ssyncset.done $0x0  }
0x9b: {  	[sflag:s23] =	ssyncadd.s32 $0xFFFFC000  }
.LBB2_12:
.Ltmp9:
0x9c: {  	s4 =	sadd.s32 s1, s11;
	s8 =	simm.s32 $0x4000;
	(pc) =	sbr.rel @p0 .LBB2_14-.Ltmp9, $4  }
0x9d: {  	[tilespmem:s8], [sflag:$0x2] =	stream.linear.gather [hbm4b:s4+s3], $0x4000, $0x38;
	[tilespmem:$0x18000] =	vst v63  }
0x9e: {  	_ =	swait.ge [sflag:s23], $0x4000  }
0x9f: {  	[sflag:s23] =	ssyncset.done $0x0  }
0xa0: {  	[sflag:s23] =	ssyncadd.s32 $0xFFFFC000  }
.LBB2_13:
0xa1: {  	_ =	swait.ge [sflag:s24], $0x2000  }
0xa2: {  	[sflag:s24] =	ssyncset.done $0x0  }
0xa3: {  	[sflag:s24] =	ssyncadd.s32 $0xFFFFE000  }
.LBB2_14:
0xa4: {  	s4 =	simm.s32 $0x0;
	s8 =	simm.s32 $0x0  }
0xa5: {  	s14 =	simm.s32 $0x0;
	s8 =	sand.u32 $0x2000, s8;
	s4 =	sand.u32 $0x300, s4  }
0xa6: {  	s15 =	sand.u32 $0x1C00, s14;
	s4 =	sor.u32 s4, s8  }
0xa7: {  	s4 =	sor.u32 s15, s4  }
0xa8: {  	v1 =	vld [tilespmem:s4+$0x8070]  }
0xa9: {  	v2 =	vld [tilespmem:s4+$0x80F0]  }
0xaa: {  	v4 =	vld [tilespmem:s4+$0x8000]  }
0xab: {  	v5 =	vld [tilespmem:s4+$0x8080]  }
0xac: {  	v6 =	vld [tilespmem:s4+$0x8010]  }
0xad: {  	v7 =	vld [tilespmem:s4+$0x8090]  }
0xae: {  	s16 =	simm.s32 $0x0;
	v0 =	vld [tilespmem:s4+$0x8020];
	v2 =	vadd.f32 v2, v1  }
0xaf: {  	s8 =	sand.u32 $0x3FFFFF80, s16;
	v3 =	vld [tilespmem:s4+$0x80A0]  }
0xb0: {  	s31 =	sadd.s32 s15, s8;
	v5 =	vadd.f32 v5, v4;
	v1 =	vld [tilespmem:s4+$0x8030];
	v8 =	vmul.f32 $5.000000000e-01, v2  }
0xb1: {  	s8 =	sadd.s32 $0x14000, s31;
	v4 =	vld [tilespmem:s4+$0x80B0]  }
0xb2: {  	s30 =	simm.s32 $0x0;
	v6 =	vadd.f32 v7, v6;
	v5 =	vmul.f32 $5.000000000e-01, v5;
	v2 =	vld [tilespmem:s4+$0x8040];
	[tilespmem:s8+$0x70] =	vst v8  }
.LBB2_15:
0xb3: {  	s30 =	sadd.s32 $0x8, s30;
	v7 =	vld [tilespmem:s4+$0x80C0]  }
0xb4: {  	s15 =	sshll.u32 s30, $0x2;
	s16 =	sshll.u32 s30, $0x5;
	p2 =	slt.u32 s30, $0x1F8;
	[tilespmem:s31+$0x14000] =	vst v5;
	v5 =	vmul.f32 $5.000000000e-01, v6;
	v0 =	vadd.f32 v3, v0;
	v3 =	vld [tilespmem:s4+$0x8050]  }
0xb5: {  	s14 =	sadd.s32 $0x400, s14;
	s16 =	sand.u32 $0x2000, s16;
	s15 =	sand.u32 $0x300, s15;
	v6 =	vld [tilespmem:s4+$0x80D0]  }
0xb6: {  	s31 =	sand.u32 $0x1C00, s14;
	s15 =	sor.u32 s15, s16;
	[tilespmem:s8+$0x10] =	vst v5;
	v0 =	vmul.f32 $5.000000000e-01, v0;
	v1 =	vadd.f32 v4, v1;
	v4 =	vld [tilespmem:s4+$0x8060]  }
0xb7: {  	v5 =	vld [tilespmem:s4+$0x80E0];
	s4 =	sor.u32 s31, s15  }
0xb8: {  	v8 =	vld [tilespmem:s4+$0x8070];
	[tilespmem:s8+$0x20] =	vst v0;
	v0 =	vmul.f32 $5.000000000e-01, v1;
	v1 =	vadd.f32 v7, v2  }
0xb9: {  	v2 =	vld [tilespmem:s4+$0x80F0]  }
0xba: {  	v7 =	vld [tilespmem:s4+$0x8000];
	[tilespmem:s8+$0x30] =	vst v0;
	v0 =	vmul.f32 $5.000000000e-01, v1;
	v1 =	vadd.f32 v6, v3  }
0xbb: {  	v6 =	vld [tilespmem:s4+$0x8080]  }
0xbc: {  	v9 =	vld [tilespmem:s4+$0x8010];
	[tilespmem:s8+$0x40] =	vst v0;
	v1 =	vmul.f32 $5.000000000e-01, v1;
	v3 =	vadd.f32 v5, v4  }
0xbd: {  	v10 =	vld [tilespmem:s4+$0x8090]  }
.Ltmp10:
0xbe: {  	s15 =	sshll.u32 s30, $0x1;
	v0 =	vld [tilespmem:s4+$0x8020];
	v2 =	vadd.f32 v2, v8;
	[tilespmem:s8+$0x50] =	vst v1;
	v4 =	vmul.f32 $5.000000000e-01, v3;
	(pc) =	sbr.rel @p2 .LBB2_15-.Ltmp10, $4  }
0xbf: {  	s15 =	sand.u32 $0x3FFFFF80, s15;
	v3 =	vld [tilespmem:s4+$0x80A0]  }
0xc0: {  	s31 =	sadd.s32 s31, s15;
	v5 =	vadd.f32 v6, v7;
	v1 =	vld [tilespmem:s4+$0x8030];
	v7 =	vmul.f32 $5.000000000e-01, v2;
	[tilespmem:s8+$0x60] =	vst v4  }
0xc1: {  	s8 =	sadd.s32 $0x14000, s31;
	v4 =	vld [tilespmem:s4+$0x80B0]  }
0xc2: {  	v5 =	vmul.f32 $5.000000000e-01, v5;
	v6 =	vadd.f32 v10, v9;
	v2 =	vld [tilespmem:s4+$0x8040];
	[tilespmem:s8+$0x70] =	vst v7  }
0xc3: {  	v7 =	vld [tilespmem:s4+$0x80C0]  }
0xc4: {  	v8 =	vld [tilespmem:s4+$0x8050]  }
0xc5: {  	v9 =	vld [tilespmem:s4+$0x80D0]  }
0xc6: {  	v10 =	vld [tilespmem:s4+$0x8060]  }
0xc7: {  	v11 =	vld [tilespmem:s4+$0x80E0]  }
0xc8: {  	v0 =	vadd.f32 v3, v0  }
0xc9: {  	v58 =	vmul.f32 $5.000000000e-01, v6;
	v1 =	vadd.f32 v4, v1  }
0xca: {  	[tilespmem:s31+$0x14000] =	vst v5;
	v0 =	vmul.f32 $5.000000000e-01, v0;
	v2 =	vadd.f32 v7, v2  }
0xcb: {  	[tilespmem:s8+$0x10] =	vst v58;
	v1 =	vmul.f32 $5.000000000e-01, v1;
	v59 =	vadd.f32 v9, v8  }
0xcc: {  	[tilespmem:s8+$0x20] =	vst v0;
	v61 =	vadd.f32 v11, v10;
	v60 =	vmul.f32 $5.000000000e-01, v2  }
.Ltmp11:
0xcd: {  	[tilespmem:s8+$0x30] =	vst v1;
	v62 =	vmul.f32 $5.000000000e-01, v59;
	(pc) =	sbr.rel @p1 .LBB2_18-.Ltmp11, $4  }
0xce: {  	v63 =	vmul.f32 $5.000000000e-01, v61;
	[tilespmem:s8+$0x40] =	vst v60  }
0xcf: {  	[tilespmem:s8+$0x50] =	vst v62  }
0xd0: {  	s31 =	sadd.s32 $0x800, s6;
	[tilespmem:s8+$0x60] =	vst v63  }
0xd1: {  	[hbm4b:s31+s3] =	stream.linear.scatter [tilespmem:s25], [sflag:$0x7], $0x2000, $0x38;
	[tilespmem:$0x18000] =	vst v63  }
.Ltmp12:
0xd2: {  	(pc) =	sbr.rel .LBB2_19-.Ltmp12, $4  }
0xd3: {  	_ = 	snop  }
0xd4: {  	_ =	swait.ge [sflag:s26], $0x4000  }
0xd5: {  	[sflag:s26] =	ssyncset.done $0x0  }
0xd6: {  	[sflag:s26] =	ssyncadd.s32 $0xFFFFC000  }
.LBB2_18:
.Ltmp13:
0xd7: {  	s4 =	sadd.s32 s1, s12;
	s6 =	simm.s32 $0x8000;
	(pc) =	sbr.rel @p0 .LBB2_20-.Ltmp13, $4  }
0xd8: {  	[tilespmem:s6], [sflag:$0x3] =	stream.linear.gather [hbm4b:s4+s3], $0x4000, $0x38;
	[tilespmem:$0x18000] =	vst v63  }
0xd9: {  	_ =	swait.ge [sflag:s26], $0x4000  }
0xda: {  	[sflag:s26] =	ssyncset.done $0x0  }
0xdb: {  	[sflag:s26] =	ssyncadd.s32 $0xFFFFC000  }
.LBB2_19:
0xdc: {  	_ =	swait.ge [sflag:s28], $0x2000  }
0xdd: {  	[sflag:s28] =	ssyncset.done $0x0  }
0xde: {  	[sflag:s28] =	ssyncadd.s32 $0xFFFFE000  }
.LBB2_20:
0xdf: {  	s4 =	simm.s32 $0x0;
	s6 =	simm.s32 $0x0  }
0xe0: {  	s8 =	simm.s32 $0x0;
	s6 =	sand.u32 $0x2000, s6;
	s4 =	sand.u32 $0x300, s4  }
0xe1: {  	s14 =	sand.u32 $0x1C00, s8;
	s4 =	sor.u32 s4, s6  }
0xe2: {  	s4 =	sor.u32 s14, s4  }
0xe3: {  	v1 =	vld [tilespmem:s4+$0xC070]  }
0xe4: {  	v2 =	vld [tilespmem:s4+$0xC0F0]  }
0xe5: {  	v4 =	vld [tilespmem:s4+$0xC000]  }
0xe6: {  	v5 =	vld [tilespmem:s4+$0xC080]  }
0xe7: {  	v6 =	vld [tilespmem:s4+$0xC010]  }
0xe8: {  	v7 =	vld [tilespmem:s4+$0xC090]  }
0xe9: {  	s31 =	simm.s32 $0x0;
	v0 =	vld [tilespmem:s4+$0xC020];
	v2 =	vadd.f32 v2, v1  }
0xea: {  	s6 =	sand.u32 $0x3FFFFF80, s31;
	v3 =	vld [tilespmem:s4+$0xC0A0]  }
0xeb: {  	s30 =	sadd.s32 s14, s6;
	v5 =	vadd.f32 v5, v4;
	v1 =	vld [tilespmem:s4+$0xC030];
	v8 =	vmul.f32 $5.000000000e-01, v2  }
0xec: {  	s6 =	sadd.s32 $0x16000, s30;
	v4 =	vld [tilespmem:s4+$0xC0B0]  }
0xed: {  	s14 =	simm.s32 $0x0;
	v6 =	vadd.f32 v7, v6;
	v5 =	vmul.f32 $5.000000000e-01, v5;
	v2 =	vld [tilespmem:s4+$0xC040];
	[tilespmem:s6+$0x70] =	vst v8  }
.LBB2_21:
0xee: {  	s14 =	sadd.s32 $0x8, s14;
	v7 =	vld [tilespmem:s4+$0xC0C0]  }
0xef: {  	s15 =	sshll.u32 s14, $0x2;
	s16 =	sshll.u32 s14, $0x5;
	p0 =	slt.u32 s14, $0x1F8;
	[tilespmem:s30+$0x16000] =	vst v5;
	v5 =	vmul.f32 $5.000000000e-01, v6;
	v0 =	vadd.f32 v3, v0;
	v3 =	vld [tilespmem:s4+$0xC050]  }
0xf0: {  	s8 =	sadd.s32 $0x400, s8;
	s16 =	sand.u32 $0x2000, s16;
	s15 =	sand.u32 $0x300, s15;
	v6 =	vld [tilespmem:s4+$0xC0D0]  }
0xf1: {  	s30 =	sand.u32 $0x1C00, s8;
	s15 =	sor.u32 s15, s16;
	[tilespmem:s6+$0x10] =	vst v5;
	v0 =	vmul.f32 $5.000000000e-01, v0;
	v1 =	vadd.f32 v4, v1;
	v4 =	vld [tilespmem:s4+$0xC060]  }
0xf2: {  	v5 =	vld [tilespmem:s4+$0xC0E0];
	s4 =	sor.u32 s30, s15  }
0xf3: {  	v8 =	vld [tilespmem:s4+$0xC070];
	[tilespmem:s6+$0x20] =	vst v0;
	v0 =	vmul.f32 $5.000000000e-01, v1;
	v1 =	vadd.f32 v7, v2  }
0xf4: {  	v2 =	vld [tilespmem:s4+$0xC0F0]  }
0xf5: {  	v7 =	vld [tilespmem:s4+$0xC000];
	[tilespmem:s6+$0x30] =	vst v0;
	v0 =	vmul.f32 $5.000000000e-01, v1;
	v1 =	vadd.f32 v6, v3  }
0xf6: {  	v6 =	vld [tilespmem:s4+$0xC080]  }
0xf7: {  	v9 =	vld [tilespmem:s4+$0xC010];
	[tilespmem:s6+$0x40] =	vst v0;
	v1 =	vmul.f32 $5.000000000e-01, v1;
	v3 =	vadd.f32 v5, v4  }
0xf8: {  	v10 =	vld [tilespmem:s4+$0xC090]  }
.Ltmp14:
0xf9: {  	s15 =	sshll.u32 s14, $0x1;
	v0 =	vld [tilespmem:s4+$0xC020];
	v2 =	vadd.f32 v2, v8;
	[tilespmem:s6+$0x50] =	vst v1;
	v4 =	vmul.f32 $5.000000000e-01, v3;
	(pc) =	sbr.rel @p0 .LBB2_21-.Ltmp14, $4  }
0xfa: {  	s15 =	sand.u32 $0x3FFFFF80, s15;
	v3 =	vld [tilespmem:s4+$0xC0A0]  }
0xfb: {  	s30 =	sadd.s32 s30, s15;
	v5 =	vadd.f32 v6, v7;
	v1 =	vld [tilespmem:s4+$0xC030];
	v7 =	vmul.f32 $5.000000000e-01, v2;
	[tilespmem:s6+$0x60] =	vst v4  }
0xfc: {  	s6 =	sadd.s32 $0x16000, s30;
	v4 =	vld [tilespmem:s4+$0xC0B0]  }
0xfd: {  	v5 =	vmul.f32 $5.000000000e-01, v5;
	v6 =	vadd.f32 v10, v9;
	v2 =	vld [tilespmem:s4+$0xC040];
	[tilespmem:s6+$0x70] =	vst v7  }
0xfe: {  	v7 =	vld [tilespmem:s4+$0xC0C0]  }
0xff: {  	v8 =	vld [tilespmem:s4+$0xC050]  }
0x100: {  	v9 =	vld [tilespmem:s4+$0xC0D0]  }
0x101: {  	v10 =	vld [tilespmem:s4+$0xC060]  }
0x102: {  	v11 =	vld [tilespmem:s4+$0xC0E0]  }
0x103: {  	v0 =	vadd.f32 v3, v0  }
0x104: {  	v58 =	vmul.f32 $5.000000000e-01, v6;
	v1 =	vadd.f32 v4, v1  }
0x105: {  	[tilespmem:s30+$0x16000] =	vst v5;
	v0 =	vmul.f32 $5.000000000e-01, v0;
	v2 =	vadd.f32 v7, v2  }
0x106: {  	[tilespmem:s6+$0x10] =	vst v58;
	v1 =	vmul.f32 $5.000000000e-01, v1;
	v59 =	vadd.f32 v9, v8  }
0x107: {  	p0 =	seq.s32 s0, $0xF;
	[tilespmem:s6+$0x20] =	vst v0;
	v61 =	vadd.f32 v11, v10;
	v60 =	vmul.f32 $5.000000000e-01, v2  }
.Ltmp15:
0x108: {  	[tilespmem:s6+$0x30] =	vst v1;
	v62 =	vmul.f32 $5.000000000e-01, v59;
	(pc) =	sbr.rel @p0 .LBB2_24-.Ltmp15, $4  }
0x109: {  	v63 =	vmul.f32 $5.000000000e-01, v61;
	[tilespmem:s6+$0x40] =	vst v60  }
0x10a: {  	[tilespmem:s6+$0x50] =	vst v62  }
0x10b: {  	s31 =	sadd.s32 $0xC00, s7;
	[tilespmem:s6+$0x60] =	vst v63  }
0x10c: {  	[hbm4b:s31+s3] =	stream.linear.scatter [tilespmem:s29], [sflag:$0x8], $0x2000, $0x38;
	[tilespmem:$0x18000] =	vst v63  }
.Ltmp16:
0x10d: {  	(pc) =	sbr.rel .LBB2_2-.Ltmp16, $3  }
0x10e: {  	_ =	sdelay $0x1  }
0x10f: {  	s1 =	sadd.s32 s1, s13;
	s0 =	sadd.s32 $0x1, s0  }
0x110: {  	[tilespmem:s17], [sflag:$0x4] =	stream.linear.gather [hbm4b:s1+s3], $0x4000, $0x38;
	[tilespmem:$0x18000] =	vst v63  }
.LBB2_25:
0x111: {  	_ =	sfence.sel $0x180000  }
0x112: {  	[bflag:$0x0] =	sbarrier.arrive $0xFFFF  }
0x113: {  	_ =	strace $0x90000047  }
0x114: {  	s0 =	stileid.u32;
	[bflag:$0x2] =	sbarrier.arrive $0xFFFF  }
0x115: {  	p0 =	sne.s32 s0, $0x0;
	s0 =	rddreg [dreg:$0x2]  }
0x116: {  	s0 =	sadd.s32 @!p0 $0x100000, s0  }
0x117: {  	[sflag:s0] =	ssyncadd.tile.s32 @!p0 $0x1;
	_ =	shalt  }
.Lfunc_end2:
_tile_overlayer_lowered:
.L_overlay_start_2:
0x118: {  	(tag) =	ssettag $0x2  }
0x119: {  	s0 =	rddreg [dreg:$0x0];
	s2 =	stileid.u32  }
0x11a: {  	s1 =	rddreg [dreg:$0x1];
	p0 =	sne.s32 s2, $0x0  }
0x11b: {  	s3 =	rddreg [dreg:$0x2];
	[bflag:$0x3] =	sbarrier.arrive $0xFFFF;
	s2 =	simm.s32 @!p0 $0x1C09  }
0x11c: {  	[timem:s3], [sflag:s2] =	dma.local @!p0 [hbm:s0], s1  }
0x11d: {  	s0 =	simm.s32 @!p0 $0x9  }
0x11e: {  	_ =	swait.ge @!p0 [sflag:s0], s1  }
0x11f: {  	s1 =	ssub.s32 @!p0 $0x0, s1;
	[sflag:s0] =	ssyncset.done @!p0 $0x0  }
0x120: {  	[sflag:s0] =	ssyncadd.s32 @!p0 s1  }
0x121: {  	[bflag:$0x3] =	sbarrier.arrive $0xFFFF  }
0x122: {  	_ =	shalt  }

</sc_bundles>
